<compile_context>
chip_gen: v7x
topology: tpu7x:2x2x1
jax: 0.10.2.dev20260603
libtpu: 0.0.44.dev20260713+nightly
codegen_flags: <defaults>
</compile_context>

<pallas_src>
import functools

import jax
import jax.numpy as jnp
from jax import lax
from jax.experimental import pallas as pl
from jax.experimental.pallas import tpu as pltpu
from jax.experimental.pallas import tpu_sc as plsc

L = 16


def _take(v, idx):
    return v.at[idx].get(mode="promise_in_bounds")


def _cumsum16(m):
    lanes = lax.iota(jnp.int32, L)
    v = m
    for k in (1, 2, 4, 8):
        shifted = _take(v, jnp.maximum(lanes - k, 0))
        ind = jnp.minimum(jnp.maximum(lanes - (k - 1), 0), 1)
        v = v + shifted * ind
    return v


def _bcast_last(v):
    return _take(v, jnp.full((L,), L - 1, jnp.int32))


def _emb_lookup(inp_flat, weights, *, rows_per_worker, seq_len, chunk):
    n_workers = inp_flat.shape[0] // rows_per_worker
    segs_per_row = seq_len // rows_per_worker
    n_chunks = rows_per_worker // chunk
    emb_dim = weights.shape[1]
    mesh = plsc.VectorSubcoreMesh(core_axis_name="c", subcore_axis_name="s")

    @functools.partial(
        pl.kernel,
        out_type=jax.ShapeDtypeStruct((inp_flat.shape[0], emb_dim), jnp.float32),
        mesh=mesh,
        scratch_types=[
            pltpu.VMEM((seq_len,), jnp.int32),
            pltpu.VMEM((rows_per_worker,), jnp.int32),
            pltpu.VMEM((3, chunk, emb_dim), jnp.float32),
            pltpu.SemaphoreType.DMA,
            pltpu.SemaphoreType.DMA,
            pltpu.SemaphoreType.DMA,
            pltpu.SemaphoreType.DMA,
            pltpu.SemaphoreType.DMA,
            pltpu.SemaphoreType.DMA,
        ],
    )
    def body(inp_hbm, table_hbm, out_hbm, row_v, idx_v, buf_v, g0, g1, g2, o0, o1, o2):
        wid = lax.axis_index("c") * (n_workers // 2) + lax.axis_index("s")
        seg = wid % segs_per_row
        row = wid // segs_per_row
        row_start = row * seq_len

        pltpu.sync_copy(inp_hbm.at[pl.ds(row_start, seq_len)], row_v)

        def count_chunk(k, acc):
            x = row_v[pl.ds(k * L, L)]
            return acc + jnp.minimum(x, 1)

        zero = jnp.zeros((L,), jnp.int32)
        acc = lax.fori_loop(0, seg * (rows_per_worker // L), count_chunk, zero)
        base = _bcast_last(_cumsum16(acc))

        local0 = seg * rows_per_worker

        def pos_chunk(k, carry):
            x = row_v[pl.ds(local0 + k * L, L)]
            m = jnp.minimum(x, 1)
            cs = _cumsum16(m)
            idx_v[pl.ds(k * L, L)] = (carry + cs) * m
            return carry + _bcast_last(cs)

        steps_per_chunk = chunk // L
        carry0 = lax.fori_loop(0, steps_per_chunk, pos_chunk, base)

        out0 = wid * rows_per_worker
        gs, os_ = (g0, g1, g2), (o0, o1, o2)

        def start_gather(i, b):
            idx_sl = idx_v.at[pl.ds(i * chunk, chunk)]
            pltpu.async_copy(table_hbm.at[idx_sl], buf_v.at[b], gs[b])

        def wait_gather(b):
            pltpu.make_async_copy(
                table_hbm.at[pl.ds(0, chunk)], buf_v.at[b], gs[b]).wait()

        def start_out(i, b):
            pltpu.async_copy(
                buf_v.at[b], out_hbm.at[pl.ds(out0 + i * chunk, chunk)], os_[b])

        def wait_out(b):
            pltpu.make_async_copy(
                table_hbm.at[pl.ds(0, chunk)],
                out_hbm.at[pl.ds(out0, chunk)], os_[b]).wait()

        def slot3(fn, sel):
            for b in range(3):
                @pl.when(sel == b)
                def _():
                    fn(b)

        start_gather(0, 0)
        lax.fori_loop(steps_per_chunk, rows_per_worker // L, pos_chunk, carry0)
        wait_gather(0)
        start_out(0, 0)
        start_gather(1, 1)
        wait_gather(1)
        start_out(1, 1)
        start_gather(2, 2)

        def steady(i, _):
            b = i % 3
            nb = (i + 1) % 3
            slot3(wait_gather, b)
            slot3(lambda s: start_out(i, s), b)
            slot3(wait_out, nb)
            slot3(lambda s: start_gather(i + 1, s), nb)
            return 0

        lax.fori_loop(2, n_chunks - 1, steady, 0)

        b_last = (n_chunks - 1) % 3
        slot3(wait_gather, b_last)
        slot3(lambda s: start_out(n_chunks - 1, s), b_last)
        wait_out(0)
        wait_out(1)
        wait_out(2)

    return body(inp_flat, weights)


def kernel(input, weights):
    b, seq_len = input.shape
    inp_flat = input.reshape(-1)
    out = _emb_lookup(inp_flat, weights, rows_per_worker=(b * seq_len) // 32,
                      seq_len=seq_len, chunk=32)
    return out.reshape(b, seq_len, weights.shape[1])

# --- scband reference (transcript-rebuilt; emitter-appended) ---
"""Pipeline reference for scband-sinusoidal-positional-embedding-120259084917 (READ-ONLY COPY).

The authoritative reference and input builder live on the scoring server;
editing this copy changes nothing except your own understanding.
"""

import jax, jax.numpy as jnp
import numpy as np

EMB_DIM = 1024
PAD_IDX = 0
INIT_SIZE = 8194
BATCH = 4
SEQ_LEN = 8192


def get_embedding(num_embeddings, embedding_dim, padding_idx=None, div_half_dim=False):
    assert embedding_dim % 2 == 0
    half_dim = embedding_dim // 2
    if not div_half_dim:
        emb = np.log(10000) / (half_dim - 1)
    else:
        emb = np.log(10000.0) / half_dim
    emb = jnp.exp(jnp.arange(half_dim, dtype=jnp.float32) * (-emb))
    emb = jnp.arange(num_embeddings, dtype=jnp.float32)[:, None] * emb[None, :]
    emb = jnp.concatenate([jnp.sin(emb), jnp.cos(emb)], axis=1).reshape(num_embeddings, -1)
    if padding_idx is not None:
        emb = emb.at[padding_idx, :].set(0.0)
    return emb


def setup_inputs(seed: int = 0) -> dict:
    key = jax.random.key(seed)
    inp = jax.random.randint(key, (BATCH, SEQ_LEN), 0, 1000, dtype=jnp.int32)
    weights = get_embedding(INIT_SIZE, EMB_DIM, PAD_IDX, div_half_dim=False)
    return {"input": inp, "weights": weights}


def make_positions(input, padding_idx):
    mask = (input != padding_idx).astype(jnp.int32)
    return (jnp.cumsum(mask, axis=1) * mask).astype(jnp.int32) + padding_idx


def reference(input, weights):
    # input: int[b, seq_len]; weights: float32[INIT_SIZE, EMB_DIM] sinusoidal table
    b, seq_len = input.shape
    positions = make_positions(input, PAD_IDX)
    out = jnp.take(weights, positions.reshape(-1), axis=0).reshape(b, seq_len, EMB_DIM)
    return out

if __name__ == "__main__":
    import jax
    _d = setup_inputs()
    print(jax.jit(kernel)(*tuple(_d.values())))

</pallas_src>

<mosaic_0001>
#map = affine_map<(d0, d1) -> (0)>
#map1 = affine_map<(d0, d1) -> (0, 0)>
module attributes {stable_mosaic.version = 14 : i64} {
  func.func @body(%arg0: i32, %arg1: i32, %arg2: memref<32768xi32, #tpu.memory_space<hbm>>, %arg3: memref<8194x1024xf32, #tpu.memory_space<hbm>>, %arg4: memref<32768x1024xf32, #tpu.memory_space<hbm>>, %arg5: memref<8192xi32, #tpu.memory_space<vmem>>, %arg6: memref<1024xi32, #tpu.memory_space<vmem>>, %arg7: memref<3x32x1024xf32, #tpu.memory_space<vmem>>, %arg8: memref<!tpu.dma_semaphore, #tpu.memory_space<semaphore_mem>>, %arg9: memref<!tpu.dma_semaphore, #tpu.memory_space<semaphore_mem>>, %arg10: memref<!tpu.dma_semaphore, #tpu.memory_space<semaphore_mem>>, %arg11: memref<!tpu.dma_semaphore, #tpu.memory_space<semaphore_mem>>, %arg12: memref<!tpu.dma_semaphore, #tpu.memory_space<semaphore_mem>>, %arg13: memref<!tpu.dma_semaphore, #tpu.memory_space<semaphore_mem>>) attributes {dimension_semantics = [#tpu.dimension_semantics<core_parallel>, #tpu.dimension_semantics<subcore_parallel>], iteration_bounds = array<i64: 2, 16>, scalar_prefetch = 0 : i64, scratch_operands = 9 : i64, tpu.core_type = #tpu.core_type<sc_vector_subcore>, window_params = [{transform_indices = #map}, {transform_indices = #map1}, {transform_indices = #map1}]} {
    %mul3A = arith.constant 16 : i32
    %mul3A_0 = arith.muli %arg0, %mul3A : i32
    %add3A = arith.addi %mul3A_0, %arg1 : i32
    %jit3A = arith.constant 8 : i32
    %eq3A = arith.constant 0 : i32
    %eq3A_1 = arith.cmpi eq, %jit3A, %eq3A : i32
    %jit3A_2 = arith.constant 1 : i32
    %select_n3A = arith.select %eq3A_1, %jit3A_2, %jit3A : i32
    %rem3A = arith.remsi %add3A, %select_n3A : i32
    %ne3A = arith.constant 0 : i32
    %ne3A_3 = arith.cmpi ne, %rem3A, %ne3A : i32
    %lt3A = arith.constant 0 : i32
    %lt3A_4 = arith.cmpi slt, %rem3A, %lt3A : i32
    %lt3A_5 = arith.constant 0 : i32
    %lt3A_6 = arith.cmpi slt, %select_n3A, %lt3A_5 : i32
    %ne3A_7 = arith.xori %lt3A_4, %lt3A_6 : i1
    %and3A = arith.andi %ne3A_7, %ne3A_3 : i1
    %add3A_8 = arith.addi %rem3A, %select_n3A : i32
    %select_n3A_9 = arith.select %and3A, %add3A_8, %rem3A : i32
    %jit3A_10 = arith.constant 8 : i32
    %div3A = arith.divsi %add3A, %jit3A_10 : i32
    %sign3A = arith.constant 0 : i32
    %sign3A_11 = arith.cmpi sgt, %add3A, %sign3A : i32
    %sign3A_12 = arith.extui %sign3A_11 : i1 to i32
    %sign3A_13 = arith.constant 0 : i32
    %sign3A_14 = arith.cmpi slt, %add3A, %sign3A_13 : i32
    %sign3A_15 = arith.extui %sign3A_14 : i1 to i32
    %sign3A_16 = arith.subi %sign3A_12, %sign3A_15 : i32
    %sign3A_17 = arith.constant 0 : i32
    %sign3A_18 = arith.cmpi sgt, %jit3A_10, %sign3A_17 : i32
    %sign3A_19 = arith.extui %sign3A_18 : i1 to i32
    %sign3A_20 = arith.constant 0 : i32
    %sign3A_21 = arith.cmpi slt, %jit3A_10, %sign3A_20 : i32
    %sign3A_22 = arith.extui %sign3A_21 : i1 to i32
    %sign3A_23 = arith.subi %sign3A_19, %sign3A_22 : i32
    %ne3A_24 = arith.cmpi ne, %sign3A_16, %sign3A_23 : i32
    %rem3A_25 = arith.remsi %add3A, %jit3A_10 : i32
    %ne3A_26 = arith.constant 0 : i32
    %ne3A_27 = arith.cmpi ne, %rem3A_25, %ne3A_26 : i32
    %and3A_28 = arith.andi %ne3A_24, %ne3A_27 : i1
    %sub3A = arith.constant 1 : i32
    %sub3A_29 = arith.subi %div3A, %sub3A : i32
    %select_n3A_30 = arith.select %and3A_28, %sub3A_29, %div3A : i32
    %mul3A_31 = arith.constant 8192 : i32
    %mul3A_32 = arith.muli %select_n3A_30, %mul3A_31 : i32
    "tpu.region"() ({
      %run_scoped3A = tpu.sem_alloc : memref<!tpu.dma_semaphore, #tpu.memory_space<semaphore_mem>>
      %dma_start3A_318 = tpu.memref_slice %arg2[%mul3A_32] : memref<32768xi32, #tpu.memory_space<hbm>> -> memref<8192xi32, #tpu.memory_space<hbm>>
      %dma_start3A_319 = tpu.memref_slice %arg2[%mul3A_32] : memref<32768xi32, #tpu.memory_space<hbm>> -> memref<8192xi32, #tpu.memory_space<hbm>>
      tpu.enqueue_dma source(%dma_start3A_319 : memref<8192xi32, #tpu.memory_space<hbm>>) target(%arg5 : memref<8192xi32, #tpu.memory_space<vmem>>) target_semaphore(%run_scoped3A : memref<!tpu.dma_semaphore, #tpu.memory_space<semaphore_mem>>)
      %dma_wait3A_320 = tpu.memref_slice %arg2[%mul3A_32] : memref<32768xi32, #tpu.memory_space<hbm>> -> memref<8192xi32, #tpu.memory_space<hbm>>
      %dma_wait3A_321 = tpu.memref_slice %arg2[%mul3A_32] : memref<32768xi32, #tpu.memory_space<hbm>> -> memref<8192xi32, #tpu.memory_space<hbm>>
      tpu.wait_dma2 semaphore(%run_scoped3A : memref<!tpu.dma_semaphore, #tpu.memory_space<semaphore_mem>>) src(%dma_wait3A_321 : memref<8192xi32, #tpu.memory_space<hbm>>) dst(%arg5 : memref<8192xi32, #tpu.memory_space<vmem>>)
      tpu.yield
    }) : () -> ()
    %broadcast_in_dim3A = arith.constant 0 : i32
    %broadcast_in_dim3A_33 = vector.broadcast %broadcast_in_dim3A : i32 to vector<16xi32>
    %mul3A_34 = arith.constant 64 : i32
    %mul3A_35 = arith.muli %select_n3A_9, %mul3A_34 : i32
    %while3A = arith.constant 0 : i32
    %while3A_36 = arith.subi %mul3A_35, %while3A : i32
    %while3A_37 = arith.addi %while3A, %while3A_36 : i32
    %while3A_38 = arith.constant 1 : i32
    %while3A_39 = arith.divsi %while3A_36, %while3A_38 : i32
    %while3A_40 = arith.muli %while3A_39, %while3A_38 : i32
    %while3A_41 = arith.addi %while3A, %while3A_40 : i32
    %while3A_42 = arith.constant 1 : i32
    %while3A_43 = scf.for %while3A_318 = %while3A to %while3A_41 step %while3A_42 iter_args(%while3A_319 = %broadcast_in_dim3A_33) -> (vector<16xi32>)  : i32 {
      %mul3A_320 = arith.constant 16 : i32
      %mul3A_321 = arith.muli %while3A_318, %mul3A_320 : i32
      %get3A = arith.index_cast %mul3A_321 : i32 to index
      %get3A_322 = tpu.vector_load %arg5[%get3A] {strides = array<i32>} : memref<8192xi32, #tpu.memory_space<vmem>>, vector<16xi32>,
      %get3A_323 = vector.shape_cast %get3A_322 : vector<16xi32> to vector<16xi32>
      %min3A_324 = arith.constant 1 : i32
      %min3A_325 = vector.broadcast %min3A_324 : i32 to vector<16xi32>
      %min3A_326 = arith.minsi %get3A_323, %min3A_325 : vector<16xi32>
      %add3A_327 = arith.addi %while3A_319, %min3A_326 : vector<16xi32>
      scf.yield %add3A_327 : vector<16xi32>
    }
    %while3A_44 = arith.constant 1 : i32
    %while3A_45 = scf.for %while3A_318 = %while3A_41 to %while3A_37 step %while3A_44 iter_args(%while3A_319 = %while3A_43) -> (vector<16xi32>)  : i32 {
      %mul3A_320 = arith.constant 16 : i32
      %mul3A_321 = arith.muli %while3A_318, %mul3A_320 : i32
      %get3A = arith.index_cast %mul3A_321 : i32 to index
      %get3A_322 = tpu.vector_load %arg5[%get3A] {strides = array<i32>} : memref<8192xi32, #tpu.memory_space<vmem>>, vector<16xi32>,
      %get3A_323 = vector.shape_cast %get3A_322 : vector<16xi32> to vector<16xi32>
      %min3A_324 = arith.constant 1 : i32
      %min3A_325 = vector.broadcast %min3A_324 : i32 to vector<16xi32>
      %min3A_326 = arith.minsi %get3A_323, %min3A_325 : vector<16xi32>
      %add3A_327 = arith.addi %while3A_319, %min3A_326 : vector<16xi32>
      scf.yield %add3A_327 : vector<16xi32>
    }
    %iota3A = tpu.iota {dimensions = array<i32: 0>} : vector<16xi32>
    %sub3A_46 = arith.constant 1 : i32
    %sub3A_47 = vector.broadcast %sub3A_46 : i32 to vector<16xi32>
    %sub3A_48 = arith.subi %iota3A, %sub3A_47 : vector<16xi32>
    %max3A = arith.constant 0 : i32
    %max3A_49 = vector.broadcast %max3A : i32 to vector<16xi32>
    %max3A_50 = arith.maxsi %sub3A_48, %max3A_49 : vector<16xi32>
    %lt3A_51 = arith.constant 0 : i32
    %lt3A_52 = vector.broadcast %lt3A_51 : i32 to vector<16xi32>
    %lt3A_53 = arith.cmpi slt, %max3A_50, %lt3A_52 : vector<16xi32>
    %add3A_54 = arith.constant 16 : i32
    %add3A_55 = vector.broadcast %add3A_54 : i32 to vector<16xi32>
    %add3A_56 = arith.addi %max3A_50, %add3A_55 : vector<16xi32>
    %select_n3A_57 = arith.select %lt3A_53, %add3A_56, %max3A_50 : vector<16xi1>, vector<16xi32>
    %broadcast_in_dim3A_58 = vector.shape_cast %select_n3A_57 : vector<16xi32> to vector<16x1xi32>
    %gather3A = vector.shape_cast %broadcast_in_dim3A_58 : vector<16x1xi32> to vector<16xi32>
    %gather3A_59 = tpu.dynamic_gather %while3A_45[%gather3A] in [0] : vector<16xi32>, vector<16xi32> -> vector<16xi32>
    %sub3A_60 = arith.constant 0 : i32
    %sub3A_61 = vector.broadcast %sub3A_60 : i32 to vector<16xi32>
    %sub3A_62 = arith.subi %iota3A, %sub3A_61 : vector<16xi32>
    %max3A_63 = arith.constant 0 : i32
    %max3A_64 = vector.broadcast %max3A_63 : i32 to vector<16xi32>
    %max3A_65 = arith.maxsi %sub3A_62, %max3A_64 : vector<16xi32>
    %min3A = arith.constant 1 : i32
    %min3A_66 = vector.broadcast %min3A : i32 to vector<16xi32>
    %min3A_67 = arith.minsi %max3A_65, %min3A_66 : vector<16xi32>
    %mul3A_68 = arith.muli %gather3A_59, %min3A_67 : vector<16xi32>
    %add3A_69 = arith.addi %while3A_45, %mul3A_68 : vector<16xi32>
    %sub3A_70 = arith.constant 2 : i32
    %sub3A_71 = vector.broadcast %sub3A_70 : i32 to vector<16xi32>
    %sub3A_72 = arith.subi %iota3A, %sub3A_71 : vector<16xi32>
    %max3A_73 = arith.constant 0 : i32
    %max3A_74 = vector.broadcast %max3A_73 : i32 to vector<16xi32>
    %max3A_75 = arith.maxsi %sub3A_72, %max3A_74 : vector<16xi32>
    %lt3A_76 = arith.constant 0 : i32
    %lt3A_77 = vector.broadcast %lt3A_76 : i32 to vector<16xi32>
    %lt3A_78 = arith.cmpi slt, %max3A_75, %lt3A_77 : vector<16xi32>
    %add3A_79 = arith.constant 16 : i32
    %add3A_80 = vector.broadcast %add3A_79 : i32 to vector<16xi32>
    %add3A_81 = arith.addi %max3A_75, %add3A_80 : vector<16xi32>
    %select_n3A_82 = arith.select %lt3A_78, %add3A_81, %max3A_75 : vector<16xi1>, vector<16xi32>
    %broadcast_in_dim3A_83 = vector.shape_cast %select_n3A_82 : vector<16xi32> to vector<16x1xi32>
    %gather3A_84 = vector.shape_cast %broadcast_in_dim3A_83 : vector<16x1xi32> to vector<16xi32>
    %gather3A_85 = tpu.dynamic_gather %add3A_69[%gather3A_84] in [0] : vector<16xi32>, vector<16xi32> -> vector<16xi32>
    %sub3A_86 = arith.constant 1 : i32
    %sub3A_87 = vector.broadcast %sub3A_86 : i32 to vector<16xi32>
    %sub3A_88 = arith.subi %iota3A, %sub3A_87 : vector<16xi32>
    %max3A_89 = arith.constant 0 : i32
    %max3A_90 = vector.broadcast %max3A_89 : i32 to vector<16xi32>
    %max3A_91 = arith.maxsi %sub3A_88, %max3A_90 : vector<16xi32>
    %min3A_92 = arith.constant 1 : i32
    %min3A_93 = vector.broadcast %min3A_92 : i32 to vector<16xi32>
    %min3A_94 = arith.minsi %max3A_91, %min3A_93 : vector<16xi32>
    %mul3A_95 = arith.muli %gather3A_85, %min3A_94 : vector<16xi32>
    %add3A_96 = arith.addi %add3A_69, %mul3A_95 : vector<16xi32>
    %sub3A_97 = arith.constant 4 : i32
    %sub3A_98 = vector.broadcast %sub3A_97 : i32 to vector<16xi32>
    %sub3A_99 = arith.subi %iota3A, %sub3A_98 : vector<16xi32>
    %max3A_100 = arith.constant 0 : i32
    %max3A_101 = vector.broadcast %max3A_100 : i32 to vector<16xi32>
    %max3A_102 = arith.maxsi %sub3A_99, %max3A_101 : vector<16xi32>
    %lt3A_103 = arith.constant 0 : i32
    %lt3A_104 = vector.broadcast %lt3A_103 : i32 to vector<16xi32>
    %lt3A_105 = arith.cmpi slt, %max3A_102, %lt3A_104 : vector<16xi32>
    %add3A_106 = arith.constant 16 : i32
    %add3A_107 = vector.broadcast %add3A_106 : i32 to vector<16xi32>
    %add3A_108 = arith.addi %max3A_102, %add3A_107 : vector<16xi32>
    %select_n3A_109 = arith.select %lt3A_105, %add3A_108, %max3A_102 : vector<16xi1>, vector<16xi32>
    %broadcast_in_dim3A_110 = vector.shape_cast %select_n3A_109 : vector<16xi32> to vector<16x1xi32>
    %gather3A_111 = vector.shape_cast %broadcast_in_dim3A_110 : vector<16x1xi32> to vector<16xi32>
    %gather3A_112 = tpu.dynamic_gather %add3A_96[%gather3A_111] in [0] : vector<16xi32>, vector<16xi32> -> vector<16xi32>
    %sub3A_113 = arith.constant 3 : i32
    %sub3A_114 = vector.broadcast %sub3A_113 : i32 to vector<16xi32>
    %sub3A_115 = arith.subi %iota3A, %sub3A_114 : vector<16xi32>
    %max3A_116 = arith.constant 0 : i32
    %max3A_117 = vector.broadcast %max3A_116 : i32 to vector<16xi32>
    %max3A_118 = arith.maxsi %sub3A_115, %max3A_117 : vector<16xi32>
    %min3A_119 = arith.constant 1 : i32
    %min3A_120 = vector.broadcast %min3A_119 : i32 to vector<16xi32>
    %min3A_121 = arith.minsi %max3A_118, %min3A_120 : vector<16xi32>
    %mul3A_122 = arith.muli %gather3A_112, %min3A_121 : vector<16xi32>
    %add3A_123 = arith.addi %add3A_96, %mul3A_122 : vector<16xi32>
    %sub3A_124 = arith.constant 8 : i32
    %sub3A_125 = vector.broadcast %sub3A_124 : i32 to vector<16xi32>
    %sub3A_126 = arith.subi %iota3A, %sub3A_125 : vector<16xi32>
    %max3A_127 = arith.constant 0 : i32
    %max3A_128 = vector.broadcast %max3A_127 : i32 to vector<16xi32>
    %max3A_129 = arith.maxsi %sub3A_126, %max3A_128 : vector<16xi32>
    %lt3A_130 = arith.constant 0 : i32
    %lt3A_131 = vector.broadcast %lt3A_130 : i32 to vector<16xi32>
    %lt3A_132 = arith.cmpi slt, %max3A_129, %lt3A_131 : vector<16xi32>
    %add3A_133 = arith.constant 16 : i32
    %add3A_134 = vector.broadcast %add3A_133 : i32 to vector<16xi32>
    %add3A_135 = arith.addi %max3A_129, %add3A_134 : vector<16xi32>
    %select_n3A_136 = arith.select %lt3A_132, %add3A_135, %max3A_129 : vector<16xi1>, vector<16xi32>
    %broadcast_in_dim3A_137 = vector.shape_cast %select_n3A_136 : vector<16xi32> to vector<16x1xi32>
    %gather3A_138 = vector.shape_cast %broadcast_in_dim3A_137 : vector<16x1xi32> to vector<16xi32>
    %gather3A_139 = tpu.dynamic_gather %add3A_123[%gather3A_138] in [0] : vector<16xi32>, vector<16xi32> -> vector<16xi32>
    %sub3A_140 = arith.constant 7 : i32
    %sub3A_141 = vector.broadcast %sub3A_140 : i32 to vector<16xi32>
    %sub3A_142 = arith.subi %iota3A, %sub3A_141 : vector<16xi32>
    %max3A_143 = arith.constant 0 : i32
    %max3A_144 = vector.broadcast %max3A_143 : i32 to vector<16xi32>
    %max3A_145 = arith.maxsi %sub3A_142, %max3A_144 : vector<16xi32>
    %min3A_146 = arith.constant 1 : i32
    %min3A_147 = vector.broadcast %min3A_146 : i32 to vector<16xi32>
    %min3A_148 = arith.minsi %max3A_145, %min3A_147 : vector<16xi32>
    %mul3A_149 = arith.muli %gather3A_139, %min3A_148 : vector<16xi32>
    %add3A_150 = arith.addi %add3A_123, %mul3A_149 : vector<16xi32>
    %broadcast_in_dim3A_151 = arith.constant 15 : i32
    %broadcast_in_dim3A_152 = vector.broadcast %broadcast_in_dim3A_151 : i32 to vector<16xi32>
    %lt3A_153 = arith.constant 0 : i32
    %lt3A_154 = vector.broadcast %lt3A_153 : i32 to vector<16xi32>
    %lt3A_155 = arith.cmpi slt, %broadcast_in_dim3A_152, %lt3A_154 : vector<16xi32>
    %add3A_156 = arith.constant 16 : i32
    %add3A_157 = vector.broadcast %add3A_156 : i32 to vector<16xi32>
    %add3A_158 = arith.addi %broadcast_in_dim3A_152, %add3A_157 : vector<16xi32>
    %select_n3A_159 = arith.select %lt3A_155, %add3A_158, %broadcast_in_dim3A_152 : vector<16xi1>, vector<16xi32>
    %broadcast_in_dim3A_160 = vector.shape_cast %select_n3A_159 : vector<16xi32> to vector<16x1xi32>
    %gather3A_161 = vector.shape_cast %broadcast_in_dim3A_160 : vector<16x1xi32> to vector<16xi32>
    %gather3A_162 = tpu.dynamic_gather %add3A_150[%gather3A_161] in [0] : vector<16xi32>, vector<16xi32> -> vector<16xi32>
    %mul3A_163 = arith.constant 1024 : i32
    %mul3A_164 = arith.muli %select_n3A_9, %mul3A_163 : i32
    %scan3A = arith.constant 0 : i32
    %scan3A_165 = arith.constant 2 : i32
    %scan3A_166 = arith.addi %scan3A, %scan3A_165 : i32
    %scan3A_167 = arith.constant 1 : i32
    %scan3A_168 = scf.for %scan3A_318 = %scan3A to %scan3A_166 step %scan3A_167 iter_args(%scan3A_319 = %gather3A_162) -> (vector<16xi32>)  : i32 {
      %mul3A_320 = arith.constant 16 : i32
      %mul3A_321 = arith.muli %scan3A_318, %mul3A_320 : i32
      %add3A_322 = arith.addi %mul3A_164, %mul3A_321 : i32
      %get3A = arith.index_cast %add3A_322 : i32 to index
      %get3A_323 = tpu.vector_load %arg5[%get3A] {strides = array<i32>} : memref<8192xi32, #tpu.memory_space<vmem>>, vector<16xi32>,
      %get3A_324 = vector.shape_cast %get3A_323 : vector<16xi32> to vector<16xi32>
      %min3A_325 = arith.constant 1 : i32
      %min3A_326 = vector.broadcast %min3A_325 : i32 to vector<16xi32>
      %min3A_327 = arith.minsi %get3A_324, %min3A_326 : vector<16xi32>
      %iota3A_328 = tpu.iota {dimensions = array<i32: 0>} : vector<16xi32>
      %sub3A_329 = arith.constant 1 : i32
      %sub3A_330 = vector.broadcast %sub3A_329 : i32 to vector<16xi32>
      %sub3A_331 = arith.subi %iota3A_328, %sub3A_330 : vector<16xi32>
      %max3A_332 = arith.constant 0 : i32
      %max3A_333 = vector.broadcast %max3A_332 : i32 to vector<16xi32>
      %max3A_334 = arith.maxsi %sub3A_331, %max3A_333 : vector<16xi32>
      %lt3A_335 = arith.constant 0 : i32
      %lt3A_336 = vector.broadcast %lt3A_335 : i32 to vector<16xi32>
      %lt3A_337 = arith.cmpi slt, %max3A_334, %lt3A_336 : vector<16xi32>
      %add3A_338 = arith.constant 16 : i32
      %add3A_339 = vector.broadcast %add3A_338 : i32 to vector<16xi32>
      %add3A_340 = arith.addi %max3A_334, %add3A_339 : vector<16xi32>
      %select_n3A_341 = arith.select %lt3A_337, %add3A_340, %max3A_334 : vector<16xi1>, vector<16xi32>
      %broadcast_in_dim3A_342 = vector.shape_cast %select_n3A_341 : vector<16xi32> to vector<16x1xi32>
      %gather3A_343 = vector.shape_cast %broadcast_in_dim3A_342 : vector<16x1xi32> to vector<16xi32>
      %gather3A_344 = tpu.dynamic_gather %min3A_327[%gather3A_343] in [0] : vector<16xi32>, vector<16xi32> -> vector<16xi32>
      %sub3A_345 = arith.constant 0 : i32
      %sub3A_346 = vector.broadcast %sub3A_345 : i32 to vector<16xi32>
      %sub3A_347 = arith.subi %iota3A_328, %sub3A_346 : vector<16xi32>
      %max3A_348 = arith.constant 0 : i32
      %max3A_349 = vector.broadcast %max3A_348 : i32 to vector<16xi32>
      %max3A_350 = arith.maxsi %sub3A_347, %max3A_349 : vector<16xi32>
      %min3A_351 = arith.constant 1 : i32
      %min3A_352 = vector.broadcast %min3A_351 : i32 to vector<16xi32>
      %min3A_353 = arith.minsi %max3A_350, %min3A_352 : vector<16xi32>
      %mul3A_354 = arith.muli %gather3A_344, %min3A_353 : vector<16xi32>
      %add3A_355 = arith.addi %min3A_327, %mul3A_354 : vector<16xi32>
      %sub3A_356 = arith.constant 2 : i32
      %sub3A_357 = vector.broadcast %sub3A_356 : i32 to vector<16xi32>
      %sub3A_358 = arith.subi %iota3A_328, %sub3A_357 : vector<16xi32>
      %max3A_359 = arith.constant 0 : i32
      %max3A_360 = vector.broadcast %max3A_359 : i32 to vector<16xi32>
      %max3A_361 = arith.maxsi %sub3A_358, %max3A_360 : vector<16xi32>
      %lt3A_362 = arith.constant 0 : i32
      %lt3A_363 = vector.broadcast %lt3A_362 : i32 to vector<16xi32>
      %lt3A_364 = arith.cmpi slt, %max3A_361, %lt3A_363 : vector<16xi32>
      %add3A_365 = arith.constant 16 : i32
      %add3A_366 = vector.broadcast %add3A_365 : i32 to vector<16xi32>
      %add3A_367 = arith.addi %max3A_361, %add3A_366 : vector<16xi32>
      %select_n3A_368 = arith.select %lt3A_364, %add3A_367, %max3A_361 : vector<16xi1>, vector<16xi32>
      %broadcast_in_dim3A_369 = vector.shape_cast %select_n3A_368 : vector<16xi32> to vector<16x1xi32>
      %gather3A_370 = vector.shape_cast %broadcast_in_dim3A_369 : vector<16x1xi32> to vector<16xi32>
      %gather3A_371 = tpu.dynamic_gather %add3A_355[%gather3A_370] in [0] : vector<16xi32>, vector<16xi32> -> vector<16xi32>
      %sub3A_372 = arith.constant 1 : i32
      %sub3A_373 = vector.broadcast %sub3A_372 : i32 to vector<16xi32>
      %sub3A_374 = arith.subi %iota3A_328, %sub3A_373 : vector<16xi32>
      %max3A_375 = arith.constant 0 : i32
      %max3A_376 = vector.broadcast %max3A_375 : i32 to vector<16xi32>
      %max3A_377 = arith.maxsi %sub3A_374, %max3A_376 : vector<16xi32>
      %min3A_378 = arith.constant 1 : i32
      %min3A_379 = vector.broadcast %min3A_378 : i32 to vector<16xi32>
      %min3A_380 = arith.minsi %max3A_377, %min3A_379 : vector<16xi32>
      %mul3A_381 = arith.muli %gather3A_371, %min3A_380 : vector<16xi32>
      %add3A_382 = arith.addi %add3A_355, %mul3A_381 : vector<16xi32>
      %sub3A_383 = arith.constant 4 : i32
      %sub3A_384 = vector.broadcast %sub3A_383 : i32 to vector<16xi32>
      %sub3A_385 = arith.subi %iota3A_328, %sub3A_384 : vector<16xi32>
      %max3A_386 = arith.constant 0 : i32
      %max3A_387 = vector.broadcast %max3A_386 : i32 to vector<16xi32>
      %max3A_388 = arith.maxsi %sub3A_385, %max3A_387 : vector<16xi32>
      %lt3A_389 = arith.constant 0 : i32
      %lt3A_390 = vector.broadcast %lt3A_389 : i32 to vector<16xi32>
      %lt3A_391 = arith.cmpi slt, %max3A_388, %lt3A_390 : vector<16xi32>
      %add3A_392 = arith.constant 16 : i32
      %add3A_393 = vector.broadcast %add3A_392 : i32 to vector<16xi32>
      %add3A_394 = arith.addi %max3A_388, %add3A_393 : vector<16xi32>
      %select_n3A_395 = arith.select %lt3A_391, %add3A_394, %max3A_388 : vector<16xi1>, vector<16xi32>
      %broadcast_in_dim3A_396 = vector.shape_cast %select_n3A_395 : vector<16xi32> to vector<16x1xi32>
      %gather3A_397 = vector.shape_cast %broadcast_in_dim3A_396 : vector<16x1xi32> to vector<16xi32>
      %gather3A_398 = tpu.dynamic_gather %add3A_382[%gather3A_397] in [0] : vector<16xi32>, vector<16xi32> -> vector<16xi32>
      %sub3A_399 = arith.constant 3 : i32
      %sub3A_400 = vector.broadcast %sub3A_399 : i32 to vector<16xi32>
      %sub3A_401 = arith.subi %iota3A_328, %sub3A_400 : vector<16xi32>
      %max3A_402 = arith.constant 0 : i32
      %max3A_403 = vector.broadcast %max3A_402 : i32 to vector<16xi32>
      %max3A_404 = arith.maxsi %sub3A_401, %max3A_403 : vector<16xi32>
      %min3A_405 = arith.constant 1 : i32
      %min3A_406 = vector.broadcast %min3A_405 : i32 to vector<16xi32>
      %min3A_407 = arith.minsi %max3A_404, %min3A_406 : vector<16xi32>
      %mul3A_408 = arith.muli %gather3A_398, %min3A_407 : vector<16xi32>
      %add3A_409 = arith.addi %add3A_382, %mul3A_408 : vector<16xi32>
      %sub3A_410 = arith.constant 8 : i32
      %sub3A_411 = vector.broadcast %sub3A_410 : i32 to vector<16xi32>
      %sub3A_412 = arith.subi %iota3A_328, %sub3A_411 : vector<16xi32>
      %max3A_413 = arith.constant 0 : i32
      %max3A_414 = vector.broadcast %max3A_413 : i32 to vector<16xi32>
      %max3A_415 = arith.maxsi %sub3A_412, %max3A_414 : vector<16xi32>
      %lt3A_416 = arith.constant 0 : i32
      %lt3A_417 = vector.broadcast %lt3A_416 : i32 to vector<16xi32>
      %lt3A_418 = arith.cmpi slt, %max3A_415, %lt3A_417 : vector<16xi32>
      %add3A_419 = arith.constant 16 : i32
      %add3A_420 = vector.broadcast %add3A_419 : i32 to vector<16xi32>
      %add3A_421 = arith.addi %max3A_415, %add3A_420 : vector<16xi32>
      %select_n3A_422 = arith.select %lt3A_418, %add3A_421, %max3A_415 : vector<16xi1>, vector<16xi32>
      %broadcast_in_dim3A_423 = vector.shape_cast %select_n3A_422 : vector<16xi32> to vector<16x1xi32>
      %gather3A_424 = vector.shape_cast %broadcast_in_dim3A_423 : vector<16x1xi32> to vector<16xi32>
      %gather3A_425 = tpu.dynamic_gather %add3A_409[%gather3A_424] in [0] : vector<16xi32>, vector<16xi32> -> vector<16xi32>
      %sub3A_426 = arith.constant 7 : i32
      %sub3A_427 = vector.broadcast %sub3A_426 : i32 to vector<16xi32>
      %sub3A_428 = arith.subi %iota3A_328, %sub3A_427 : vector<16xi32>
      %max3A_429 = arith.constant 0 : i32
      %max3A_430 = vector.broadcast %max3A_429 : i32 to vector<16xi32>
      %max3A_431 = arith.maxsi %sub3A_428, %max3A_430 : vector<16xi32>
      %min3A_432 = arith.constant 1 : i32
      %min3A_433 = vector.broadcast %min3A_432 : i32 to vector<16xi32>
      %min3A_434 = arith.minsi %max3A_431, %min3A_433 : vector<16xi32>
      %mul3A_435 = arith.muli %gather3A_425, %min3A_434 : vector<16xi32>
      %add3A_436 = arith.addi %add3A_409, %mul3A_435 : vector<16xi32>
      %add3A_437 = arith.addi %scan3A_319, %add3A_436 : vector<16xi32>
      %mul3A_438 = arith.muli %add3A_437, %min3A_327 : vector<16xi32>
      %mul3A_439 = arith.constant 16 : i32
      %mul3A_440 = arith.muli %scan3A_318, %mul3A_439 : i32
      %swap3A = arith.index_cast %mul3A_440 : i32 to index
      %swap3A_441 = tpu.vector_load %arg6[%swap3A] {strides = array<i32>} : memref<1024xi32, #tpu.memory_space<vmem>>, vector<16xi32>,
      %swap3A_442 = vector.shape_cast %swap3A_441 : vector<16xi32> to vector<16xi32>
      %swap3A_443 = vector.shape_cast %mul3A_438 : vector<16xi32> to vector<16xi32>
      tpu.vector_store %arg6[%swap3A], %swap3A_443 {strides = array<i32>} : memref<1024xi32, #tpu.memory_space<vmem>>, vector<16xi32>,
      %broadcast_in_dim3A_444 = arith.constant 15 : i32
      %broadcast_in_dim3A_445 = vector.broadcast %broadcast_in_dim3A_444 : i32 to vector<16xi32>
      %lt3A_446 = arith.constant 0 : i32
      %lt3A_447 = vector.broadcast %lt3A_446 : i32 to vector<16xi32>
      %lt3A_448 = arith.cmpi slt, %broadcast_in_dim3A_445, %lt3A_447 : vector<16xi32>
      %add3A_449 = arith.constant 16 : i32
      %add3A_450 = vector.broadcast %add3A_449 : i32 to vector<16xi32>
      %add3A_451 = arith.addi %broadcast_in_dim3A_445, %add3A_450 : vector<16xi32>
      %select_n3A_452 = arith.select %lt3A_448, %add3A_451, %broadcast_in_dim3A_445 : vector<16xi1>, vector<16xi32>
      %broadcast_in_dim3A_453 = vector.shape_cast %select_n3A_452 : vector<16xi32> to vector<16x1xi32>
      %gather3A_454 = vector.shape_cast %broadcast_in_dim3A_453 : vector<16x1xi32> to vector<16xi32>
      %gather3A_455 = tpu.dynamic_gather %add3A_436[%gather3A_454] in [0] : vector<16xi32>, vector<16xi32> -> vector<16xi32>
      %add3A_456 = arith.addi %scan3A_319, %gather3A_455 : vector<16xi32>
      scf.yield %add3A_456 : vector<16xi32>
    }
    %scan3A_169 = arith.constant 2 : i32
    %mul3A_170 = arith.constant 1024 : i32
    %mul3A_171 = arith.muli %add3A, %mul3A_170 : i32
    %dma_start3A = arith.constant 0 : i32
    %dma_start3A_172 = arith.constant 0 : i32
    %dma_start3A_173 = arith.constant 0 : i32
    %dma_start3A_174 = tpu.memref_slice %arg7[%dma_start3A, %dma_start3A_172, %dma_start3A_173] : memref<3x32x1024xf32, #tpu.memory_space<vmem>> -> memref<1x32x1024xf32, #tpu.memory_space<vmem>>
    %dma_start3A_175 = tpu.memref_squeeze %dma_start3A_174 : memref<1x32x1024xf32, #tpu.memory_space<vmem>> -> memref<32x1024xf32, #tpu.memory_space<vmem>>
    %dma_start3A_176 = arith.constant 0 : i32
    %dma_start3A_177 = tpu.memref_slice %arg6[%dma_start3A_176] : memref<1024xi32, #tpu.memory_space<vmem>> -> memref<32xi32, #tpu.memory_space<vmem>>
    %dma_start3A_178 = arith.constant 0 : i32
    %dma_start3A_179 = arith.constant 0 : i32
    %dma_start3A_180 = tpu.memref_slice %arg3[%dma_start3A_178, %dma_start3A_179] : memref<8194x1024xf32, #tpu.memory_space<hbm>> -> memref<8194x1024xf32, #tpu.memory_space<hbm>>
    tpu.enqueue_indirect_dma source(%dma_start3A_180 : memref<8194x1024xf32, #tpu.memory_space<hbm>>) target(%dma_start3A_175 : memref<32x1024xf32, #tpu.memory_space<vmem>>) offsets(%dma_start3A_177 : memref<32xi32, #tpu.memory_space<vmem>>) semaphore(%arg8 : memref<!tpu.dma_semaphore, #tpu.memory_space<semaphore_mem>>)
    %scan3A_181 = arith.constant 2 : i32
    %scan3A_182 = arith.constant 62 : i32
    %scan3A_183 = arith.addi %scan3A_181, %scan3A_182 : i32
    %scan3A_184 = arith.constant 1 : i32
    %scan3A_185 = scf.for %scan3A_318 = %scan3A_181 to %scan3A_183 step %scan3A_184 iter_args(%scan3A_319 = %scan3A_168) -> (vector<16xi32>)  : i32 {
      %mul3A_320 = arith.constant 16 : i32
      %mul3A_321 = arith.muli %scan3A_318, %mul3A_320 : i32
      %add3A_322 = arith.addi %mul3A_164, %mul3A_321 : i32
      %get3A = arith.index_cast %add3A_322 : i32 to index
      %get3A_323 = tpu.vector_load %arg5[%get3A] {strides = array<i32>} : memref<8192xi32, #tpu.memory_space<vmem>>, vector<16xi32>,
      %get3A_324 = vector.shape_cast %get3A_323 : vector<16xi32> to vector<16xi32>
      %min3A_325 = arith.constant 1 : i32
      %min3A_326 = vector.broadcast %min3A_325 : i32 to vector<16xi32>
      %min3A_327 = arith.minsi %get3A_324, %min3A_326 : vector<16xi32>
      %iota3A_328 = tpu.iota {dimensions = array<i32: 0>} : vector<16xi32>
      %sub3A_329 = arith.constant 1 : i32
      %sub3A_330 = vector.broadcast %sub3A_329 : i32 to vector<16xi32>
      %sub3A_331 = arith.subi %iota3A_328, %sub3A_330 : vector<16xi32>
      %max3A_332 = arith.constant 0 : i32
      %max3A_333 = vector.broadcast %max3A_332 : i32 to vector<16xi32>
      %max3A_334 = arith.maxsi %sub3A_331, %max3A_333 : vector<16xi32>
      %lt3A_335 = arith.constant 0 : i32
      %lt3A_336 = vector.broadcast %lt3A_335 : i32 to vector<16xi32>
      %lt3A_337 = arith.cmpi slt, %max3A_334, %lt3A_336 : vector<16xi32>
      %add3A_338 = arith.constant 16 : i32
      %add3A_339 = vector.broadcast %add3A_338 : i32 to vector<16xi32>
      %add3A_340 = arith.addi %max3A_334, %add3A_339 : vector<16xi32>
      %select_n3A_341 = arith.select %lt3A_337, %add3A_340, %max3A_334 : vector<16xi1>, vector<16xi32>
      %broadcast_in_dim3A_342 = vector.shape_cast %select_n3A_341 : vector<16xi32> to vector<16x1xi32>
      %gather3A_343 = vector.shape_cast %broadcast_in_dim3A_342 : vector<16x1xi32> to vector<16xi32>
      %gather3A_344 = tpu.dynamic_gather %min3A_327[%gather3A_343] in [0] : vector<16xi32>, vector<16xi32> -> vector<16xi32>
      %sub3A_345 = arith.constant 0 : i32
      %sub3A_346 = vector.broadcast %sub3A_345 : i32 to vector<16xi32>
      %sub3A_347 = arith.subi %iota3A_328, %sub3A_346 : vector<16xi32>
      %max3A_348 = arith.constant 0 : i32
      %max3A_349 = vector.broadcast %max3A_348 : i32 to vector<16xi32>
      %max3A_350 = arith.maxsi %sub3A_347, %max3A_349 : vector<16xi32>
      %min3A_351 = arith.constant 1 : i32
      %min3A_352 = vector.broadcast %min3A_351 : i32 to vector<16xi32>
      %min3A_353 = arith.minsi %max3A_350, %min3A_352 : vector<16xi32>
      %mul3A_354 = arith.muli %gather3A_344, %min3A_353 : vector<16xi32>
      %add3A_355 = arith.addi %min3A_327, %mul3A_354 : vector<16xi32>
      %sub3A_356 = arith.constant 2 : i32
      %sub3A_357 = vector.broadcast %sub3A_356 : i32 to vector<16xi32>
      %sub3A_358 = arith.subi %iota3A_328, %sub3A_357 : vector<16xi32>
      %max3A_359 = arith.constant 0 : i32
      %max3A_360 = vector.broadcast %max3A_359 : i32 to vector<16xi32>
      %max3A_361 = arith.maxsi %sub3A_358, %max3A_360 : vector<16xi32>
      %lt3A_362 = arith.constant 0 : i32
      %lt3A_363 = vector.broadcast %lt3A_362 : i32 to vector<16xi32>
      %lt3A_364 = arith.cmpi slt, %max3A_361, %lt3A_363 : vector<16xi32>
      %add3A_365 = arith.constant 16 : i32
      %add3A_366 = vector.broadcast %add3A_365 : i32 to vector<16xi32>
      %add3A_367 = arith.addi %max3A_361, %add3A_366 : vector<16xi32>
      %select_n3A_368 = arith.select %lt3A_364, %add3A_367, %max3A_361 : vector<16xi1>, vector<16xi32>
      %broadcast_in_dim3A_369 = vector.shape_cast %select_n3A_368 : vector<16xi32> to vector<16x1xi32>
      %gather3A_370 = vector.shape_cast %broadcast_in_dim3A_369 : vector<16x1xi32> to vector<16xi32>
      %gather3A_371 = tpu.dynamic_gather %add3A_355[%gather3A_370] in [0] : vector<16xi32>, vector<16xi32> -> vector<16xi32>
      %sub3A_372 = arith.constant 1 : i32
      %sub3A_373 = vector.broadcast %sub3A_372 : i32 to vector<16xi32>
      %sub3A_374 = arith.subi %iota3A_328, %sub3A_373 : vector<16xi32>
      %max3A_375 = arith.constant 0 : i32
      %max3A_376 = vector.broadcast %max3A_375 : i32 to vector<16xi32>
      %max3A_377 = arith.maxsi %sub3A_374, %max3A_376 : vector<16xi32>
      %min3A_378 = arith.constant 1 : i32
      %min3A_379 = vector.broadcast %min3A_378 : i32 to vector<16xi32>
      %min3A_380 = arith.minsi %max3A_377, %min3A_379 : vector<16xi32>
      %mul3A_381 = arith.muli %gather3A_371, %min3A_380 : vector<16xi32>
      %add3A_382 = arith.addi %add3A_355, %mul3A_381 : vector<16xi32>
      %sub3A_383 = arith.constant 4 : i32
      %sub3A_384 = vector.broadcast %sub3A_383 : i32 to vector<16xi32>
      %sub3A_385 = arith.subi %iota3A_328, %sub3A_384 : vector<16xi32>
      %max3A_386 = arith.constant 0 : i32
      %max3A_387 = vector.broadcast %max3A_386 : i32 to vector<16xi32>
      %max3A_388 = arith.maxsi %sub3A_385, %max3A_387 : vector<16xi32>
      %lt3A_389 = arith.constant 0 : i32
      %lt3A_390 = vector.broadcast %lt3A_389 : i32 to vector<16xi32>
      %lt3A_391 = arith.cmpi slt, %max3A_388, %lt3A_390 : vector<16xi32>
      %add3A_392 = arith.constant 16 : i32
      %add3A_393 = vector.broadcast %add3A_392 : i32 to vector<16xi32>
      %add3A_394 = arith.addi %max3A_388, %add3A_393 : vector<16xi32>
      %select_n3A_395 = arith.select %lt3A_391, %add3A_394, %max3A_388 : vector<16xi1>, vector<16xi32>
      %broadcast_in_dim3A_396 = vector.shape_cast %select_n3A_395 : vector<16xi32> to vector<16x1xi32>
      %gather3A_397 = vector.shape_cast %broadcast_in_dim3A_396 : vector<16x1xi32> to vector<16xi32>
      %gather3A_398 = tpu.dynamic_gather %add3A_382[%gather3A_397] in [0] : vector<16xi32>, vector<16xi32> -> vector<16xi32>
      %sub3A_399 = arith.constant 3 : i32
      %sub3A_400 = vector.broadcast %sub3A_399 : i32 to vector<16xi32>
      %sub3A_401 = arith.subi %iota3A_328, %sub3A_400 : vector<16xi32>
      %max3A_402 = arith.constant 0 : i32
      %max3A_403 = vector.broadcast %max3A_402 : i32 to vector<16xi32>
      %max3A_404 = arith.maxsi %sub3A_401, %max3A_403 : vector<16xi32>
      %min3A_405 = arith.constant 1 : i32
      %min3A_406 = vector.broadcast %min3A_405 : i32 to vector<16xi32>
      %min3A_407 = arith.minsi %max3A_404, %min3A_406 : vector<16xi32>
      %mul3A_408 = arith.muli %gather3A_398, %min3A_407 : vector<16xi32>
      %add3A_409 = arith.addi %add3A_382, %mul3A_408 : vector<16xi32>
      %sub3A_410 = arith.constant 8 : i32
      %sub3A_411 = vector.broadcast %sub3A_410 : i32 to vector<16xi32>
      %sub3A_412 = arith.subi %iota3A_328, %sub3A_411 : vector<16xi32>
      %max3A_413 = arith.constant 0 : i32
      %max3A_414 = vector.broadcast %max3A_413 : i32 to vector<16xi32>
      %max3A_415 = arith.maxsi %sub3A_412, %max3A_414 : vector<16xi32>
      %lt3A_416 = arith.constant 0 : i32
      %lt3A_417 = vector.broadcast %lt3A_416 : i32 to vector<16xi32>
      %lt3A_418 = arith.cmpi slt, %max3A_415, %lt3A_417 : vector<16xi32>
      %add3A_419 = arith.constant 16 : i32
      %add3A_420 = vector.broadcast %add3A_419 : i32 to vector<16xi32>
      %add3A_421 = arith.addi %max3A_415, %add3A_420 : vector<16xi32>
      %select_n3A_422 = arith.select %lt3A_418, %add3A_421, %max3A_415 : vector<16xi1>, vector<16xi32>
      %broadcast_in_dim3A_423 = vector.shape_cast %select_n3A_422 : vector<16xi32> to vector<16x1xi32>
      %gather3A_424 = vector.shape_cast %broadcast_in_dim3A_423 : vector<16x1xi32> to vector<16xi32>
      %gather3A_425 = tpu.dynamic_gather %add3A_409[%gather3A_424] in [0] : vector<16xi32>, vector<16xi32> -> vector<16xi32>
      %sub3A_426 = arith.constant 7 : i32
      %sub3A_427 = vector.broadcast %sub3A_426 : i32 to vector<16xi32>
      %sub3A_428 = arith.subi %iota3A_328, %sub3A_427 : vector<16xi32>
      %max3A_429 = arith.constant 0 : i32
      %max3A_430 = vector.broadcast %max3A_429 : i32 to vector<16xi32>
      %max3A_431 = arith.maxsi %sub3A_428, %max3A_430 : vector<16xi32>
      %min3A_432 = arith.constant 1 : i32
      %min3A_433 = vector.broadcast %min3A_432 : i32 to vector<16xi32>
      %min3A_434 = arith.minsi %max3A_431, %min3A_433 : vector<16xi32>
      %mul3A_435 = arith.muli %gather3A_425, %min3A_434 : vector<16xi32>
      %add3A_436 = arith.addi %add3A_409, %mul3A_435 : vector<16xi32>
      %add3A_437 = arith.addi %scan3A_319, %add3A_436 : vector<16xi32>
      %mul3A_438 = arith.muli %add3A_437, %min3A_327 : vector<16xi32>
      %mul3A_439 = arith.constant 16 : i32
      %mul3A_440 = arith.muli %scan3A_318, %mul3A_439 : i32
      %swap3A = arith.index_cast %mul3A_440 : i32 to index
      %swap3A_441 = tpu.vector_load %arg6[%swap3A] {strides = array<i32>} : memref<1024xi32, #tpu.memory_space<vmem>>, vector<16xi32>,
      %swap3A_442 = vector.shape_cast %swap3A_441 : vector<16xi32> to vector<16xi32>
      %swap3A_443 = vector.shape_cast %mul3A_438 : vector<16xi32> to vector<16xi32>
      tpu.vector_store %arg6[%swap3A], %swap3A_443 {strides = array<i32>} : memref<1024xi32, #tpu.memory_space<vmem>>, vector<16xi32>,
      %broadcast_in_dim3A_444 = arith.constant 15 : i32
      %broadcast_in_dim3A_445 = vector.broadcast %broadcast_in_dim3A_444 : i32 to vector<16xi32>
      %lt3A_446 = arith.constant 0 : i32
      %lt3A_447 = vector.broadcast %lt3A_446 : i32 to vector<16xi32>
      %lt3A_448 = arith.cmpi slt, %broadcast_in_dim3A_445, %lt3A_447 : vector<16xi32>
      %add3A_449 = arith.constant 16 : i32
      %add3A_450 = vector.broadcast %add3A_449 : i32 to vector<16xi32>
      %add3A_451 = arith.addi %broadcast_in_dim3A_445, %add3A_450 : vector<16xi32>
      %select_n3A_452 = arith.select %lt3A_448, %add3A_451, %broadcast_in_dim3A_445 : vector<16xi1>, vector<16xi32>
      %broadcast_in_dim3A_453 = vector.shape_cast %select_n3A_452 : vector<16xi32> to vector<16x1xi32>
      %gather3A_454 = vector.shape_cast %broadcast_in_dim3A_453 : vector<16x1xi32> to vector<16xi32>
      %gather3A_455 = tpu.dynamic_gather %add3A_436[%gather3A_454] in [0] : vector<16xi32>, vector<16xi32> -> vector<16xi32>
      %add3A_456 = arith.addi %scan3A_319, %gather3A_455 : vector<16xi32>
      scf.yield %add3A_456 : vector<16xi32>
    }
    %scan3A_186 = arith.constant 62 : i32
    %dma_wait3A = arith.constant 0 : i32
    %dma_wait3A_187 = arith.constant 0 : i32
    %dma_wait3A_188 = arith.constant 0 : i32
    %dma_wait3A_189 = tpu.memref_slice %arg7[%dma_wait3A, %dma_wait3A_187, %dma_wait3A_188] : memref<3x32x1024xf32, #tpu.memory_space<vmem>> -> memref<1x32x1024xf32, #tpu.memory_space<vmem>>
    %dma_wait3A_190 = tpu.memref_squeeze %dma_wait3A_189 : memref<1x32x1024xf32, #tpu.memory_space<vmem>> -> memref<32x1024xf32, #tpu.memory_space<vmem>>
    %dma_wait3A_191 = arith.constant 0 : i32
    %dma_wait3A_192 = arith.constant 0 : i32
    %dma_wait3A_193 = tpu.memref_slice %arg3[%dma_wait3A_191, %dma_wait3A_192] : memref<8194x1024xf32, #tpu.memory_space<hbm>> -> memref<32x1024xf32, #tpu.memory_space<hbm>>
    %dma_wait3A_194 = arith.constant 0 : i32
    %dma_wait3A_195 = arith.constant 0 : i32
    %dma_wait3A_196 = tpu.memref_slice %arg7[%dma_wait3A, %dma_wait3A_194, %dma_wait3A_195] : memref<3x32x1024xf32, #tpu.memory_space<vmem>> -> memref<1x32x1024xf32, #tpu.memory_space<vmem>>
    %dma_wait3A_197 = tpu.memref_squeeze %dma_wait3A_196 : memref<1x32x1024xf32, #tpu.memory_space<vmem>> -> memref<32x1024xf32, #tpu.memory_space<vmem>>
    %dma_wait3A_198 = arith.constant 0 : i32
    %dma_wait3A_199 = arith.constant 0 : i32
    %dma_wait3A_200 = tpu.memref_slice %arg3[%dma_wait3A_198, %dma_wait3A_199] : memref<8194x1024xf32, #tpu.memory_space<hbm>> -> memref<32x1024xf32, #tpu.memory_space<hbm>>
    tpu.wait_dma2 semaphore(%arg8 : memref<!tpu.dma_semaphore, #tpu.memory_space<semaphore_mem>>) src(%dma_wait3A_200 : memref<32x1024xf32, #tpu.memory_space<hbm>>) dst(%dma_wait3A_197 : memref<32x1024xf32, #tpu.memory_space<vmem>>)
    %add3A_201 = arith.constant 0 : i32
    %add3A_202 = arith.addi %mul3A_171, %add3A_201 : i32
    %dma_start3A_203 = arith.constant 0 : i32
    %dma_start3A_204 = arith.constant 0 : i32
    %dma_start3A_205 = arith.constant 0 : i32
    %dma_start3A_206 = tpu.memref_slice %arg7[%dma_start3A_203, %dma_start3A_204, %dma_start3A_205] : memref<3x32x1024xf32, #tpu.memory_space<vmem>> -> memref<1x32x1024xf32, #tpu.memory_space<vmem>>
    %dma_start3A_207 = tpu.memref_squeeze %dma_start3A_206 : memref<1x32x1024xf32, #tpu.memory_space<vmem>> -> memref<32x1024xf32, #tpu.memory_space<vmem>>
    %dma_start3A_208 = arith.constant 0 : i32
    %dma_start3A_209 = tpu.memref_slice %arg4[%add3A_202, %dma_start3A_208] : memref<32768x1024xf32, #tpu.memory_space<hbm>> -> memref<32x1024xf32, #tpu.memory_space<hbm>>
    %dma_start3A_210 = arith.constant 0 : i32
    %dma_start3A_211 = tpu.memref_slice %arg4[%add3A_202, %dma_start3A_210] : memref<32768x1024xf32, #tpu.memory_space<hbm>> -> memref<32x1024xf32, #tpu.memory_space<hbm>>
    %dma_start3A_212 = arith.constant 0 : i32
    %dma_start3A_213 = arith.constant 0 : i32
    %dma_start3A_214 = tpu.memref_slice %arg7[%dma_start3A_203, %dma_start3A_212, %dma_start3A_213] : memref<3x32x1024xf32, #tpu.memory_space<vmem>> -> memref<1x32x1024xf32, #tpu.memory_space<vmem>>
    %dma_start3A_215 = tpu.memref_squeeze %dma_start3A_214 : memref<1x32x1024xf32, #tpu.memory_space<vmem>> -> memref<32x1024xf32, #tpu.memory_space<vmem>>
    tpu.enqueue_dma source(%dma_start3A_215 : memref<32x1024xf32, #tpu.memory_space<vmem>>) target(%dma_start3A_211 : memref<32x1024xf32, #tpu.memory_space<hbm>>) target_semaphore(%arg11 : memref<!tpu.dma_semaphore, #tpu.memory_space<semaphore_mem>>)
    %dma_start3A_216 = arith.constant 1 : i32
    %dma_start3A_217 = arith.constant 0 : i32
    %dma_start3A_218 = arith.constant 0 : i32
    %dma_start3A_219 = tpu.memref_slice %arg7[%dma_start3A_216, %dma_start3A_217, %dma_start3A_218] : memref<3x32x1024xf32, #tpu.memory_space<vmem>> -> memref<1x32x1024xf32, #tpu.memory_space<vmem>>
    %dma_start3A_220 = tpu.memref_squeeze %dma_start3A_219 : memref<1x32x1024xf32, #tpu.memory_space<vmem>> -> memref<32x1024xf32, #tpu.memory_space<vmem>>
    %dma_start3A_221 = arith.constant 32 : i32
    %dma_start3A_222 = tpu.memref_slice %arg6[%dma_start3A_221] : memref<1024xi32, #tpu.memory_space<vmem>> -> memref<32xi32, #tpu.memory_space<vmem>>
    %dma_start3A_223 = arith.constant 0 : i32
    %dma_start3A_224 = arith.constant 0 : i32
    %dma_start3A_225 = tpu.memref_slice %arg3[%dma_start3A_223, %dma_start3A_224] : memref<8194x1024xf32, #tpu.memory_space<hbm>> -> memref<8194x1024xf32, #tpu.memory_space<hbm>>
    tpu.enqueue_indirect_dma source(%dma_start3A_225 : memref<8194x1024xf32, #tpu.memory_space<hbm>>) target(%dma_start3A_220 : memref<32x1024xf32, #tpu.memory_space<vmem>>) offsets(%dma_start3A_222 : memref<32xi32, #tpu.memory_space<vmem>>) semaphore(%arg9 : memref<!tpu.dma_semaphore, #tpu.memory_space<semaphore_mem>>)
    %dma_wait3A_226 = arith.constant 1 : i32
    %dma_wait3A_227 = arith.constant 0 : i32
    %dma_wait3A_228 = arith.constant 0 : i32
    %dma_wait3A_229 = tpu.memref_slice %arg7[%dma_wait3A_226, %dma_wait3A_227, %dma_wait3A_228] : memref<3x32x1024xf32, #tpu.memory_space<vmem>> -> memref<1x32x1024xf32, #tpu.memory_space<vmem>>
    %dma_wait3A_230 = tpu.memref_squeeze %dma_wait3A_229 : memref<1x32x1024xf32, #tpu.memory_space<vmem>> -> memref<32x1024xf32, #tpu.memory_space<vmem>>
    %dma_wait3A_231 = arith.constant 0 : i32
    %dma_wait3A_232 = arith.constant 0 : i32
    %dma_wait3A_233 = tpu.memref_slice %arg3[%dma_wait3A_231, %dma_wait3A_232] : memref<8194x1024xf32, #tpu.memory_space<hbm>> -> memref<32x1024xf32, #tpu.memory_space<hbm>>
    %dma_wait3A_234 = arith.constant 0 : i32
    %dma_wait3A_235 = arith.constant 0 : i32
    %dma_wait3A_236 = tpu.memref_slice %arg7[%dma_wait3A_226, %dma_wait3A_234, %dma_wait3A_235] : memref<3x32x1024xf32, #tpu.memory_space<vmem>> -> memref<1x32x1024xf32, #tpu.memory_space<vmem>>
    %dma_wait3A_237 = tpu.memref_squeeze %dma_wait3A_236 : memref<1x32x1024xf32, #tpu.memory_space<vmem>> -> memref<32x1024xf32, #tpu.memory_space<vmem>>
    %dma_wait3A_238 = arith.constant 0 : i32
    %dma_wait3A_239 = arith.constant 0 : i32
    %dma_wait3A_240 = tpu.memref_slice %arg3[%dma_wait3A_238, %dma_wait3A_239] : memref<8194x1024xf32, #tpu.memory_space<hbm>> -> memref<32x1024xf32, #tpu.memory_space<hbm>>
    tpu.wait_dma2 semaphore(%arg9 : memref<!tpu.dma_semaphore, #tpu.memory_space<semaphore_mem>>) src(%dma_wait3A_240 : memref<32x1024xf32, #tpu.memory_space<hbm>>) dst(%dma_wait3A_237 : memref<32x1024xf32, #tpu.memory_space<vmem>>)
    %add3A_241 = arith.constant 32 : i32
    %add3A_242 = arith.addi %mul3A_171, %add3A_241 : i32
    %dma_start3A_243 = arith.constant 1 : i32
    %dma_start3A_244 = arith.constant 0 : i32
    %dma_start3A_245 = arith.constant 0 : i32
    %dma_start3A_246 = tpu.memref_slice %arg7[%dma_start3A_243, %dma_start3A_244, %dma_start3A_245] : memref<3x32x1024xf32, #tpu.memory_space<vmem>> -> memref<1x32x1024xf32, #tpu.memory_space<vmem>>
    %dma_start3A_247 = tpu.memref_squeeze %dma_start3A_246 : memref<1x32x1024xf32, #tpu.memory_space<vmem>> -> memref<32x1024xf32, #tpu.memory_space<vmem>>
    %dma_start3A_248 = arith.constant 0 : i32
    %dma_start3A_249 = tpu.memref_slice %arg4[%add3A_242, %dma_start3A_248] : memref<32768x1024xf32, #tpu.memory_space<hbm>> -> memref<32x1024xf32, #tpu.memory_space<hbm>>
    %dma_start3A_250 = arith.constant 0 : i32
    %dma_start3A_251 = tpu.memref_slice %arg4[%add3A_242, %dma_start3A_250] : memref<32768x1024xf32, #tpu.memory_space<hbm>> -> memref<32x1024xf32, #tpu.memory_space<hbm>>
    %dma_start3A_252 = arith.constant 0 : i32
    %dma_start3A_253 = arith.constant 0 : i32
    %dma_start3A_254 = tpu.memref_slice %arg7[%dma_start3A_243, %dma_start3A_252, %dma_start3A_253] : memref<3x32x1024xf32, #tpu.memory_space<vmem>> -> memref<1x32x1024xf32, #tpu.memory_space<vmem>>
    %dma_start3A_255 = tpu.memref_squeeze %dma_start3A_254 : memref<1x32x1024xf32, #tpu.memory_space<vmem>> -> memref<32x1024xf32, #tpu.memory_space<vmem>>
    tpu.enqueue_dma source(%dma_start3A_255 : memref<32x1024xf32, #tpu.memory_space<vmem>>) target(%dma_start3A_251 : memref<32x1024xf32, #tpu.memory_space<hbm>>) target_semaphore(%arg12 : memref<!tpu.dma_semaphore, #tpu.memory_space<semaphore_mem>>)
    %dma_start3A_256 = arith.constant 2 : i32
    %dma_start3A_257 = arith.constant 0 : i32
    %dma_start3A_258 = arith.constant 0 : i32
    %dma_start3A_259 = tpu.memref_slice %arg7[%dma_start3A_256, %dma_start3A_257, %dma_start3A_258] : memref<3x32x1024xf32, #tpu.memory_space<vmem>> -> memref<1x32x1024xf32, #tpu.memory_space<vmem>>
    %dma_start3A_260 = tpu.memref_squeeze %dma_start3A_259 : memref<1x32x1024xf32, #tpu.memory_space<vmem>> -> memref<32x1024xf32, #tpu.memory_space<vmem>>
    %dma_start3A_261 = arith.constant 64 : i32
    %dma_start3A_262 = tpu.memref_slice %arg6[%dma_start3A_261] : memref<1024xi32, #tpu.memory_space<vmem>> -> memref<32xi32, #tpu.memory_space<vmem>>
    %dma_start3A_263 = arith.constant 0 : i32
    %dma_start3A_264 = arith.constant 0 : i32
    %dma_start3A_265 = tpu.memref_slice %arg3[%dma_start3A_263, %dma_start3A_264] : memref<8194x1024xf32, #tpu.memory_space<hbm>> -> memref<8194x1024xf32, #tpu.memory_space<hbm>>
    tpu.enqueue_indirect_dma source(%dma_start3A_265 : memref<8194x1024xf32, #tpu.memory_space<hbm>>) target(%dma_start3A_260 : memref<32x1024xf32, #tpu.memory_space<vmem>>) offsets(%dma_start3A_262 : memref<32xi32, #tpu.memory_space<vmem>>) semaphore(%arg10 : memref<!tpu.dma_semaphore, #tpu.memory_space<semaphore_mem>>)
    %scan3A_266 = arith.constant 0 : i32
    %scan3A_267 = arith.constant 2 : i32
    %scan3A_268 = arith.constant 29 : i32
    %scan3A_269 = arith.addi %scan3A_267, %scan3A_268 : i32
    %scan3A_270 = arith.constant 1 : i32
    %scan3A_271 = scf.for %scan3A_318 = %scan3A_267 to %scan3A_269 step %scan3A_270 iter_args(%scan3A_319 = %scan3A_266) -> (i32)  : i32 {
      %jit3A_320 = arith.constant 3 : i32
      %eq3A_321 = arith.constant 0 : i32
      %eq3A_322 = arith.cmpi eq, %jit3A_320, %eq3A_321 : i32
      %jit3A_323 = arith.constant 1 : i32
      %select_n3A_324 = arith.select %eq3A_322, %jit3A_323, %jit3A_320 : i32
      %rem3A_325 = arith.remsi %scan3A_318, %select_n3A_324 : i32
      %ne3A_326 = arith.constant 0 : i32
      %ne3A_327 = arith.cmpi ne, %rem3A_325, %ne3A_326 : i32
      %lt3A_328 = arith.constant 0 : i32
      %lt3A_329 = arith.cmpi slt, %rem3A_325, %lt3A_328 : i32
      %lt3A_330 = arith.constant 0 : i32
      %lt3A_331 = arith.cmpi slt, %select_n3A_324, %lt3A_330 : i32
      %ne3A_332 = arith.xori %lt3A_329, %lt3A_331 : i1
      %and3A_333 = arith.andi %ne3A_332, %ne3A_327 : i1
      %add3A_334 = arith.addi %rem3A_325, %select_n3A_324 : i32
      %select_n3A_335 = arith.select %and3A_333, %add3A_334, %rem3A_325 : i32
      %add3A_336 = arith.constant 1 : i32
      %add3A_337 = arith.addi %scan3A_318, %add3A_336 : i32
      %jit3A_338 = arith.constant 3 : i32
      %eq3A_339 = arith.constant 0 : i32
      %eq3A_340 = arith.cmpi eq, %jit3A_338, %eq3A_339 : i32
      %jit3A_341 = arith.constant 1 : i32
      %select_n3A_342 = arith.select %eq3A_340, %jit3A_341, %jit3A_338 : i32
      %rem3A_343 = arith.remsi %add3A_337, %select_n3A_342 : i32
      %ne3A_344 = arith.constant 0 : i32
      %ne3A_345 = arith.cmpi ne, %rem3A_343, %ne3A_344 : i32
      %lt3A_346 = arith.constant 0 : i32
      %lt3A_347 = arith.cmpi slt, %rem3A_343, %lt3A_346 : i32
      %lt3A_348 = arith.constant 0 : i32
      %lt3A_349 = arith.cmpi slt, %select_n3A_342, %lt3A_348 : i32
      %ne3A_350 = arith.xori %lt3A_347, %lt3A_349 : i1
      %and3A_351 = arith.andi %ne3A_350, %ne3A_345 : i1
      %add3A_352 = arith.addi %rem3A_343, %select_n3A_342 : i32
      %select_n3A_353 = arith.select %and3A_351, %add3A_352, %rem3A_343 : i32
      %eq3A_354 = arith.constant 0 : i32
      %eq3A_355 = arith.cmpi eq, %select_n3A_335, %eq3A_354 : i32
      %convert_element_type3A = arith.extui %eq3A_355 : i1 to i32
      %cond3A = arith.constant 0 : i32
      %cond3A_356 = arith.cmpi ne, %convert_element_type3A, %cond3A : i32
      scf.if %cond3A_356 {
        %dma_wait3A_413 = arith.constant 0 : i32
        %dma_wait3A_414 = arith.constant 0 : i32
        %dma_wait3A_415 = arith.constant 0 : i32
        %dma_wait3A_416 = tpu.memref_slice %arg7[%dma_wait3A_413, %dma_wait3A_414, %dma_wait3A_415] : memref<3x32x1024xf32, #tpu.memory_space<vmem>> -> memref<1x32x1024xf32, #tpu.memory_space<vmem>>
        %dma_wait3A_417 = tpu.memref_squeeze %dma_wait3A_416 : memref<1x32x1024xf32, #tpu.memory_space<vmem>> -> memref<32x1024xf32, #tpu.memory_space<vmem>>
        %dma_wait3A_418 = arith.constant 0 : i32
        %dma_wait3A_419 = arith.constant 0 : i32
        %dma_wait3A_420 = tpu.memref_slice %arg3[%dma_wait3A_418, %dma_wait3A_419] : memref<8194x1024xf32, #tpu.memory_space<hbm>> -> memref<32x1024xf32, #tpu.memory_space<hbm>>
        %dma_wait3A_421 = arith.constant 0 : i32
        %dma_wait3A_422 = arith.constant 0 : i32
        %dma_wait3A_423 = tpu.memref_slice %arg7[%dma_wait3A_413, %dma_wait3A_421, %dma_wait3A_422] : memref<3x32x1024xf32, #tpu.memory_space<vmem>> -> memref<1x32x1024xf32, #tpu.memory_space<vmem>>
        %dma_wait3A_424 = tpu.memref_squeeze %dma_wait3A_423 : memref<1x32x1024xf32, #tpu.memory_space<vmem>> -> memref<32x1024xf32, #tpu.memory_space<vmem>>
        %dma_wait3A_425 = arith.constant 0 : i32
        %dma_wait3A_426 = arith.constant 0 : i32
        %dma_wait3A_427 = tpu.memref_slice %arg3[%dma_wait3A_425, %dma_wait3A_426] : memref<8194x1024xf32, #tpu.memory_space<hbm>> -> memref<32x1024xf32, #tpu.memory_space<hbm>>
        tpu.wait_dma2 semaphore(%arg8 : memref<!tpu.dma_semaphore, #tpu.memory_space<semaphore_mem>>) src(%dma_wait3A_427 : memref<32x1024xf32, #tpu.memory_space<hbm>>) dst(%dma_wait3A_424 : memref<32x1024xf32, #tpu.memory_space<vmem>>)
      } else {
      }
      %eq3A_357 = arith.constant 1 : i32
      %eq3A_358 = arith.cmpi eq, %select_n3A_335, %eq3A_357 : i32
      %convert_element_type3A_359 = arith.extui %eq3A_358 : i1 to i32
      %cond3A_360 = arith.constant 0 : i32
      %cond3A_361 = arith.cmpi ne, %convert_element_type3A_359, %cond3A_360 : i32
      scf.if %cond3A_361 {
        %dma_wait3A_413 = arith.constant 1 : i32
        %dma_wait3A_414 = arith.constant 0 : i32
        %dma_wait3A_415 = arith.constant 0 : i32
        %dma_wait3A_416 = tpu.memref_slice %arg7[%dma_wait3A_413, %dma_wait3A_414, %dma_wait3A_415] : memref<3x32x1024xf32, #tpu.memory_space<vmem>> -> memref<1x32x1024xf32, #tpu.memory_space<vmem>>
        %dma_wait3A_417 = tpu.memref_squeeze %dma_wait3A_416 : memref<1x32x1024xf32, #tpu.memory_space<vmem>> -> memref<32x1024xf32, #tpu.memory_space<vmem>>
        %dma_wait3A_418 = arith.constant 0 : i32
        %dma_wait3A_419 = arith.constant 0 : i32
        %dma_wait3A_420 = tpu.memref_slice %arg3[%dma_wait3A_418, %dma_wait3A_419] : memref<8194x1024xf32, #tpu.memory_space<hbm>> -> memref<32x1024xf32, #tpu.memory_space<hbm>>
        %dma_wait3A_421 = arith.constant 0 : i32
        %dma_wait3A_422 = arith.constant 0 : i32
        %dma_wait3A_423 = tpu.memref_slice %arg7[%dma_wait3A_413, %dma_wait3A_421, %dma_wait3A_422] : memref<3x32x1024xf32, #tpu.memory_space<vmem>> -> memref<1x32x1024xf32, #tpu.memory_space<vmem>>
        %dma_wait3A_424 = tpu.memref_squeeze %dma_wait3A_423 : memref<1x32x1024xf32, #tpu.memory_space<vmem>> -> memref<32x1024xf32, #tpu.memory_space<vmem>>
        %dma_wait3A_425 = arith.constant 0 : i32
        %dma_wait3A_426 = arith.constant 0 : i32
        %dma_wait3A_427 = tpu.memref_slice %arg3[%dma_wait3A_425, %dma_wait3A_426] : memref<8194x1024xf32, #tpu.memory_space<hbm>> -> memref<32x1024xf32, #tpu.memory_space<hbm>>
        tpu.wait_dma2 semaphore(%arg9 : memref<!tpu.dma_semaphore, #tpu.memory_space<semaphore_mem>>) src(%dma_wait3A_427 : memref<32x1024xf32, #tpu.memory_space<hbm>>) dst(%dma_wait3A_424 : memref<32x1024xf32, #tpu.memory_space<vmem>>)
      } else {
      }
      %eq3A_362 = arith.constant 2 : i32
      %eq3A_363 = arith.cmpi eq, %select_n3A_335, %eq3A_362 : i32
      %convert_element_type3A_364 = arith.extui %eq3A_363 : i1 to i32
      %cond3A_365 = arith.constant 0 : i32
      %cond3A_366 = arith.cmpi ne, %convert_element_type3A_364, %cond3A_365 : i32
      scf.if %cond3A_366 {
        %dma_wait3A_413 = arith.constant 2 : i32
        %dma_wait3A_414 = arith.constant 0 : i32
        %dma_wait3A_415 = arith.constant 0 : i32
        %dma_wait3A_416 = tpu.memref_slice %arg7[%dma_wait3A_413, %dma_wait3A_414, %dma_wait3A_415] : memref<3x32x1024xf32, #tpu.memory_space<vmem>> -> memref<1x32x1024xf32, #tpu.memory_space<vmem>>
        %dma_wait3A_417 = tpu.memref_squeeze %dma_wait3A_416 : memref<1x32x1024xf32, #tpu.memory_space<vmem>> -> memref<32x1024xf32, #tpu.memory_space<vmem>>
        %dma_wait3A_418 = arith.constant 0 : i32
        %dma_wait3A_419 = arith.constant 0 : i32
        %dma_wait3A_420 = tpu.memref_slice %arg3[%dma_wait3A_418, %dma_wait3A_419] : memref<8194x1024xf32, #tpu.memory_space<hbm>> -> memref<32x1024xf32, #tpu.memory_space<hbm>>
        %dma_wait3A_421 = arith.constant 0 : i32
        %dma_wait3A_422 = arith.constant 0 : i32
        %dma_wait3A_423 = tpu.memref_slice %arg7[%dma_wait3A_413, %dma_wait3A_421, %dma_wait3A_422] : memref<3x32x1024xf32, #tpu.memory_space<vmem>> -> memref<1x32x1024xf32, #tpu.memory_space<vmem>>
        %dma_wait3A_424 = tpu.memref_squeeze %dma_wait3A_423 : memref<1x32x1024xf32, #tpu.memory_space<vmem>> -> memref<32x1024xf32, #tpu.memory_space<vmem>>
        %dma_wait3A_425 = arith.constant 0 : i32
        %dma_wait3A_426 = arith.constant 0 : i32
        %dma_wait3A_427 = tpu.memref_slice %arg3[%dma_wait3A_425, %dma_wait3A_426] : memref<8194x1024xf32, #tpu.memory_space<hbm>> -> memref<32x1024xf32, #tpu.memory_space<hbm>>
        tpu.wait_dma2 semaphore(%arg10 : memref<!tpu.dma_semaphore, #tpu.memory_space<semaphore_mem>>) src(%dma_wait3A_427 : memref<32x1024xf32, #tpu.memory_space<hbm>>) dst(%dma_wait3A_424 : memref<32x1024xf32, #tpu.memory_space<vmem>>)
      } else {
      }
      %eq3A_367 = arith.constant 0 : i32
      %eq3A_368 = arith.cmpi eq, %select_n3A_335, %eq3A_367 : i32
      %convert_element_type3A_369 = arith.extui %eq3A_368 : i1 to i32
      %cond3A_370 = arith.constant 0 : i32
      %cond3A_371 = arith.cmpi ne, %convert_element_type3A_369, %cond3A_370 : i32
      scf.if %cond3A_371 {
        %mul3A_413 = arith.constant 32 : i32
        %mul3A_414 = arith.muli %scan3A_318, %mul3A_413 : i32
        %add3A_415 = arith.addi %mul3A_171, %mul3A_414 : i32
        %dma_start3A_416 = arith.constant 0 : i32
        %dma_start3A_417 = arith.constant 0 : i32
        %dma_start3A_418 = arith.constant 0 : i32
        %dma_start3A_419 = tpu.memref_slice %arg7[%dma_start3A_416, %dma_start3A_417, %dma_start3A_418] : memref<3x32x1024xf32, #tpu.memory_space<vmem>> -> memref<1x32x1024xf32, #tpu.memory_space<vmem>>
        %dma_start3A_420 = tpu.memref_squeeze %dma_start3A_419 : memref<1x32x1024xf32, #tpu.memory_space<vmem>> -> memref<32x1024xf32, #tpu.memory_space<vmem>>
        %dma_start3A_421 = arith.constant 0 : i32
        %dma_start3A_422 = tpu.memref_slice %arg4[%add3A_415, %dma_start3A_421] : memref<32768x1024xf32, #tpu.memory_space<hbm>> -> memref<32x1024xf32, #tpu.memory_space<hbm>>
        %dma_start3A_423 = arith.constant 0 : i32
        %dma_start3A_424 = tpu.memref_slice %arg4[%add3A_415, %dma_start3A_423] : memref<32768x1024xf32, #tpu.memory_space<hbm>> -> memref<32x1024xf32, #tpu.memory_space<hbm>>
        %dma_start3A_425 = arith.constant 0 : i32
        %dma_start3A_426 = arith.constant 0 : i32
        %dma_start3A_427 = tpu.memref_slice %arg7[%dma_start3A_416, %dma_start3A_425, %dma_start3A_426] : memref<3x32x1024xf32, #tpu.memory_space<vmem>> -> memref<1x32x1024xf32, #tpu.memory_space<vmem>>
        %dma_start3A_428 = tpu.memref_squeeze %dma_start3A_427 : memref<1x32x1024xf32, #tpu.memory_space<vmem>> -> memref<32x1024xf32, #tpu.memory_space<vmem>>
        tpu.enqueue_dma source(%dma_start3A_428 : memref<32x1024xf32, #tpu.memory_space<vmem>>) target(%dma_start3A_424 : memref<32x1024xf32, #tpu.memory_space<hbm>>) target_semaphore(%arg11 : memref<!tpu.dma_semaphore, #tpu.memory_space<semaphore_mem>>)
      } else {
      }
      %eq3A_372 = arith.constant 1 : i32
      %eq3A_373 = arith.cmpi eq, %select_n3A_335, %eq3A_372 : i32
      %convert_element_type3A_374 = arith.extui %eq3A_373 : i1 to i32
      %cond3A_375 = arith.constant 0 : i32
      %cond3A_376 = arith.cmpi ne, %convert_element_type3A_374, %cond3A_375 : i32
      scf.if %cond3A_376 {
        %mul3A_413 = arith.constant 32 : i32
        %mul3A_414 = arith.muli %scan3A_318, %mul3A_413 : i32
        %add3A_415 = arith.addi %mul3A_171, %mul3A_414 : i32
        %dma_start3A_416 = arith.constant 1 : i32
        %dma_start3A_417 = arith.constant 0 : i32
        %dma_start3A_418 = arith.constant 0 : i32
        %dma_start3A_419 = tpu.memref_slice %arg7[%dma_start3A_416, %dma_start3A_417, %dma_start3A_418] : memref<3x32x1024xf32, #tpu.memory_space<vmem>> -> memref<1x32x1024xf32, #tpu.memory_space<vmem>>
        %dma_start3A_420 = tpu.memref_squeeze %dma_start3A_419 : memref<1x32x1024xf32, #tpu.memory_space<vmem>> -> memref<32x1024xf32, #tpu.memory_space<vmem>>
        %dma_start3A_421 = arith.constant 0 : i32
        %dma_start3A_422 = tpu.memref_slice %arg4[%add3A_415, %dma_start3A_421] : memref<32768x1024xf32, #tpu.memory_space<hbm>> -> memref<32x1024xf32, #tpu.memory_space<hbm>>
        %dma_start3A_423 = arith.constant 0 : i32
        %dma_start3A_424 = tpu.memref_slice %arg4[%add3A_415, %dma_start3A_423] : memref<32768x1024xf32, #tpu.memory_space<hbm>> -> memref<32x1024xf32, #tpu.memory_space<hbm>>
        %dma_start3A_425 = arith.constant 0 : i32
        %dma_start3A_426 = arith.constant 0 : i32
        %dma_start3A_427 = tpu.memref_slice %arg7[%dma_start3A_416, %dma_start3A_425, %dma_start3A_426] : memref<3x32x1024xf32, #tpu.memory_space<vmem>> -> memref<1x32x1024xf32, #tpu.memory_space<vmem>>
        %dma_start3A_428 = tpu.memref_squeeze %dma_start3A_427 : memref<1x32x1024xf32, #tpu.memory_space<vmem>> -> memref<32x1024xf32, #tpu.memory_space<vmem>>
        tpu.enqueue_dma source(%dma_start3A_428 : memref<32x1024xf32, #tpu.memory_space<vmem>>) target(%dma_start3A_424 : memref<32x1024xf32, #tpu.memory_space<hbm>>) target_semaphore(%arg12 : memref<!tpu.dma_semaphore, #tpu.memory_space<semaphore_mem>>)
      } else {
      }
      %eq3A_377 = arith.constant 2 : i32
      %eq3A_378 = arith.cmpi eq, %select_n3A_335, %eq3A_377 : i32
      %convert_element_type3A_379 = arith.extui %eq3A_378 : i1 to i32
      %cond3A_380 = arith.constant 0 : i32
      %cond3A_381 = arith.cmpi ne, %convert_element_type3A_379, %cond3A_380 : i32
      scf.if %cond3A_381 {
        %mul3A_413 = arith.constant 32 : i32
        %mul3A_414 = arith.muli %scan3A_318, %mul3A_413 : i32
        %add3A_415 = arith.addi %mul3A_171, %mul3A_414 : i32
        %dma_start3A_416 = arith.constant 2 : i32
        %dma_start3A_417 = arith.constant 0 : i32
        %dma_start3A_418 = arith.constant 0 : i32
        %dma_start3A_419 = tpu.memref_slice %arg7[%dma_start3A_416, %dma_start3A_417, %dma_start3A_418] : memref<3x32x1024xf32, #tpu.memory_space<vmem>> -> memref<1x32x1024xf32, #tpu.memory_space<vmem>>
        %dma_start3A_420 = tpu.memref_squeeze %dma_start3A_419 : memref<1x32x1024xf32, #tpu.memory_space<vmem>> -> memref<32x1024xf32, #tpu.memory_space<vmem>>
        %dma_start3A_421 = arith.constant 0 : i32
        %dma_start3A_422 = tpu.memref_slice %arg4[%add3A_415, %dma_start3A_421] : memref<32768x1024xf32, #tpu.memory_space<hbm>> -> memref<32x1024xf32, #tpu.memory_space<hbm>>
        %dma_start3A_423 = arith.constant 0 : i32
        %dma_start3A_424 = tpu.memref_slice %arg4[%add3A_415, %dma_start3A_423] : memref<32768x1024xf32, #tpu.memory_space<hbm>> -> memref<32x1024xf32, #tpu.memory_space<hbm>>
        %dma_start3A_425 = arith.constant 0 : i32
        %dma_start3A_426 = arith.constant 0 : i32
        %dma_start3A_427 = tpu.memref_slice %arg7[%dma_start3A_416, %dma_start3A_425, %dma_start3A_426] : memref<3x32x1024xf32, #tpu.memory_space<vmem>> -> memref<1x32x1024xf32, #tpu.memory_space<vmem>>
        %dma_start3A_428 = tpu.memref_squeeze %dma_start3A_427 : memref<1x32x1024xf32, #tpu.memory_space<vmem>> -> memref<32x1024xf32, #tpu.memory_space<vmem>>
        tpu.enqueue_dma source(%dma_start3A_428 : memref<32x1024xf32, #tpu.memory_space<vmem>>) target(%dma_start3A_424 : memref<32x1024xf32, #tpu.memory_space<hbm>>) target_semaphore(%arg13 : memref<!tpu.dma_semaphore, #tpu.memory_space<semaphore_mem>>)
      } else {
      }
      %eq3A_382 = arith.constant 0 : i32
      %eq3A_383 = arith.cmpi eq, %select_n3A_353, %eq3A_382 : i32
      %convert_element_type3A_384 = arith.extui %eq3A_383 : i1 to i32
      %cond3A_385 = arith.constant 0 : i32
      %cond3A_386 = arith.cmpi ne, %convert_element_type3A_384, %cond3A_385 : i32
      scf.if %cond3A_386 {
        %dma_wait3A_413 = arith.constant 0 : i32
        %dma_wait3A_414 = tpu.memref_slice %arg4[%mul3A_171, %dma_wait3A_413] : memref<32768x1024xf32, #tpu.memory_space<hbm>> -> memref<32x1024xf32, #tpu.memory_space<hbm>>
        %dma_wait3A_415 = arith.constant 0 : i32
        %dma_wait3A_416 = arith.constant 0 : i32
        %dma_wait3A_417 = tpu.memref_slice %arg3[%dma_wait3A_415, %dma_wait3A_416] : memref<8194x1024xf32, #tpu.memory_space<hbm>> -> memref<32x1024xf32, #tpu.memory_space<hbm>>
        tpu.wait_dma2 semaphore(%arg11 : memref<!tpu.dma_semaphore, #tpu.memory_space<semaphore_mem>>) src(%dma_wait3A_417 : memref<32x1024xf32, #tpu.memory_space<hbm>>) dst(%dma_wait3A_414 : memref<32x1024xf32, #tpu.memory_space<hbm>>)
      } else {
      }
      %eq3A_387 = arith.constant 1 : i32
      %eq3A_388 = arith.cmpi eq, %select_n3A_353, %eq3A_387 : i32
      %convert_element_type3A_389 = arith.extui %eq3A_388 : i1 to i32
      %cond3A_390 = arith.constant 0 : i32
      %cond3A_391 = arith.cmpi ne, %convert_element_type3A_389, %cond3A_390 : i32
      scf.if %cond3A_391 {
        %dma_wait3A_413 = arith.constant 0 : i32
        %dma_wait3A_414 = tpu.memref_slice %arg4[%mul3A_171, %dma_wait3A_413] : memref<32768x1024xf32, #tpu.memory_space<hbm>> -> memref<32x1024xf32, #tpu.memory_space<hbm>>
        %dma_wait3A_415 = arith.constant 0 : i32
        %dma_wait3A_416 = arith.constant 0 : i32
        %dma_wait3A_417 = tpu.memref_slice %arg3[%dma_wait3A_415, %dma_wait3A_416] : memref<8194x1024xf32, #tpu.memory_space<hbm>> -> memref<32x1024xf32, #tpu.memory_space<hbm>>
        tpu.wait_dma2 semaphore(%arg12 : memref<!tpu.dma_semaphore, #tpu.memory_space<semaphore_mem>>) src(%dma_wait3A_417 : memref<32x1024xf32, #tpu.memory_space<hbm>>) dst(%dma_wait3A_414 : memref<32x1024xf32, #tpu.memory_space<hbm>>)
      } else {
      }
      %eq3A_392 = arith.constant 2 : i32
      %eq3A_393 = arith.cmpi eq, %select_n3A_353, %eq3A_392 : i32
      %convert_element_type3A_394 = arith.extui %eq3A_393 : i1 to i32
      %cond3A_395 = arith.constant 0 : i32
      %cond3A_396 = arith.cmpi ne, %convert_element_type3A_394, %cond3A_395 : i32
      scf.if %cond3A_396 {
        %dma_wait3A_413 = arith.constant 0 : i32
        %dma_wait3A_414 = tpu.memref_slice %arg4[%mul3A_171, %dma_wait3A_413] : memref<32768x1024xf32, #tpu.memory_space<hbm>> -> memref<32x1024xf32, #tpu.memory_space<hbm>>
        %dma_wait3A_415 = arith.constant 0 : i32
        %dma_wait3A_416 = arith.constant 0 : i32
        %dma_wait3A_417 = tpu.memref_slice %arg3[%dma_wait3A_415, %dma_wait3A_416] : memref<8194x1024xf32, #tpu.memory_space<hbm>> -> memref<32x1024xf32, #tpu.memory_space<hbm>>
        tpu.wait_dma2 semaphore(%arg13 : memref<!tpu.dma_semaphore, #tpu.memory_space<semaphore_mem>>) src(%dma_wait3A_417 : memref<32x1024xf32, #tpu.memory_space<hbm>>) dst(%dma_wait3A_414 : memref<32x1024xf32, #tpu.memory_space<hbm>>)
      } else {
      }
      %eq3A_397 = arith.constant 0 : i32
      %eq3A_398 = arith.cmpi eq, %select_n3A_353, %eq3A_397 : i32
      %convert_element_type3A_399 = arith.extui %eq3A_398 : i1 to i32
      %cond3A_400 = arith.constant 0 : i32
      %cond3A_401 = arith.cmpi ne, %convert_element_type3A_399, %cond3A_400 : i32
      scf.if %cond3A_401 {
        %add3A_413 = arith.constant 1 : i32
        %add3A_414 = arith.addi %scan3A_318, %add3A_413 : i32
        %mul3A_415 = arith.constant 32 : i32
        %mul3A_416 = arith.muli %add3A_414, %mul3A_415 : i32
        %dma_start3A_417 = arith.constant 0 : i32
        %dma_start3A_418 = arith.constant 0 : i32
        %dma_start3A_419 = arith.constant 0 : i32
        %dma_start3A_420 = tpu.memref_slice %arg7[%dma_start3A_417, %dma_start3A_418, %dma_start3A_419] : memref<3x32x1024xf32, #tpu.memory_space<vmem>> -> memref<1x32x1024xf32, #tpu.memory_space<vmem>>
        %dma_start3A_421 = tpu.memref_squeeze %dma_start3A_420 : memref<1x32x1024xf32, #tpu.memory_space<vmem>> -> memref<32x1024xf32, #tpu.memory_space<vmem>>
        %dma_start3A_422 = tpu.memref_slice %arg6[%mul3A_416] : memref<1024xi32, #tpu.memory_space<vmem>> -> memref<32xi32, #tpu.memory_space<vmem>>
        %dma_start3A_423 = arith.constant 0 : i32
        %dma_start3A_424 = arith.constant 0 : i32
        %dma_start3A_425 = tpu.memref_slice %arg3[%dma_start3A_423, %dma_start3A_424] : memref<8194x1024xf32, #tpu.memory_space<hbm>> -> memref<8194x1024xf32, #tpu.memory_space<hbm>>
        tpu.enqueue_indirect_dma source(%dma_start3A_425 : memref<8194x1024xf32, #tpu.memory_space<hbm>>) target(%dma_start3A_421 : memref<32x1024xf32, #tpu.memory_space<vmem>>) offsets(%dma_start3A_422 : memref<32xi32, #tpu.memory_space<vmem>>) semaphore(%arg8 : memref<!tpu.dma_semaphore, #tpu.memory_space<semaphore_mem>>)
      } else {
      }
      %eq3A_402 = arith.constant 1 : i32
      %eq3A_403 = arith.cmpi eq, %select_n3A_353, %eq3A_402 : i32
      %convert_element_type3A_404 = arith.extui %eq3A_403 : i1 to i32
      %cond3A_405 = arith.constant 0 : i32
      %cond3A_406 = arith.cmpi ne, %convert_element_type3A_404, %cond3A_405 : i32
      scf.if %cond3A_406 {
        %add3A_413 = arith.constant 1 : i32
        %add3A_414 = arith.addi %scan3A_318, %add3A_413 : i32
        %mul3A_415 = arith.constant 32 : i32
        %mul3A_416 = arith.muli %add3A_414, %mul3A_415 : i32
        %dma_start3A_417 = arith.constant 1 : i32
        %dma_start3A_418 = arith.constant 0 : i32
        %dma_start3A_419 = arith.constant 0 : i32
        %dma_start3A_420 = tpu.memref_slice %arg7[%dma_start3A_417, %dma_start3A_418, %dma_start3A_419] : memref<3x32x1024xf32, #tpu.memory_space<vmem>> -> memref<1x32x1024xf32, #tpu.memory_space<vmem>>
        %dma_start3A_421 = tpu.memref_squeeze %dma_start3A_420 : memref<1x32x1024xf32, #tpu.memory_space<vmem>> -> memref<32x1024xf32, #tpu.memory_space<vmem>>
        %dma_start3A_422 = tpu.memref_slice %arg6[%mul3A_416] : memref<1024xi32, #tpu.memory_space<vmem>> -> memref<32xi32, #tpu.memory_space<vmem>>
        %dma_start3A_423 = arith.constant 0 : i32
        %dma_start3A_424 = arith.constant 0 : i32
        %dma_start3A_425 = tpu.memref_slice %arg3[%dma_start3A_423, %dma_start3A_424] : memref<8194x1024xf32, #tpu.memory_space<hbm>> -> memref<8194x1024xf32, #tpu.memory_space<hbm>>
        tpu.enqueue_indirect_dma source(%dma_start3A_425 : memref<8194x1024xf32, #tpu.memory_space<hbm>>) target(%dma_start3A_421 : memref<32x1024xf32, #tpu.memory_space<vmem>>) offsets(%dma_start3A_422 : memref<32xi32, #tpu.memory_space<vmem>>) semaphore(%arg9 : memref<!tpu.dma_semaphore, #tpu.memory_space<semaphore_mem>>)
      } else {
      }
      %eq3A_407 = arith.constant 2 : i32
      %eq3A_408 = arith.cmpi eq, %select_n3A_353, %eq3A_407 : i32
      %convert_element_type3A_409 = arith.extui %eq3A_408 : i1 to i32
      %cond3A_410 = arith.constant 0 : i32
      %cond3A_411 = arith.cmpi ne, %convert_element_type3A_409, %cond3A_410 : i32
      scf.if %cond3A_411 {
        %add3A_413 = arith.constant 1 : i32
        %add3A_414 = arith.addi %scan3A_318, %add3A_413 : i32
        %mul3A_415 = arith.constant 32 : i32
        %mul3A_416 = arith.muli %add3A_414, %mul3A_415 : i32
        %dma_start3A_417 = arith.constant 2 : i32
        %dma_start3A_418 = arith.constant 0 : i32
        %dma_start3A_419 = arith.constant 0 : i32
        %dma_start3A_420 = tpu.memref_slice %arg7[%dma_start3A_417, %dma_start3A_418, %dma_start3A_419] : memref<3x32x1024xf32, #tpu.memory_space<vmem>> -> memref<1x32x1024xf32, #tpu.memory_space<vmem>>
        %dma_start3A_421 = tpu.memref_squeeze %dma_start3A_420 : memref<1x32x1024xf32, #tpu.memory_space<vmem>> -> memref<32x1024xf32, #tpu.memory_space<vmem>>
        %dma_start3A_422 = tpu.memref_slice %arg6[%mul3A_416] : memref<1024xi32, #tpu.memory_space<vmem>> -> memref<32xi32, #tpu.memory_space<vmem>>
        %dma_start3A_423 = arith.constant 0 : i32
        %dma_start3A_424 = arith.constant 0 : i32
        %dma_start3A_425 = tpu.memref_slice %arg3[%dma_start3A_423, %dma_start3A_424] : memref<8194x1024xf32, #tpu.memory_space<hbm>> -> memref<8194x1024xf32, #tpu.memory_space<hbm>>
        tpu.enqueue_indirect_dma source(%dma_start3A_425 : memref<8194x1024xf32, #tpu.memory_space<hbm>>) target(%dma_start3A_421 : memref<32x1024xf32, #tpu.memory_space<vmem>>) offsets(%dma_start3A_422 : memref<32xi32, #tpu.memory_space<vmem>>) semaphore(%arg10 : memref<!tpu.dma_semaphore, #tpu.memory_space<semaphore_mem>>)
      } else {
      }
      %scan3A_412 = arith.constant 0 : i32
      scf.yield %scan3A_412 : i32
    }
    %scan3A_272 = arith.constant 29 : i32
    %dma_wait3A_273 = arith.constant 1 : i32
    %dma_wait3A_274 = arith.constant 0 : i32
    %dma_wait3A_275 = arith.constant 0 : i32
    %dma_wait3A_276 = tpu.memref_slice %arg7[%dma_wait3A_273, %dma_wait3A_274, %dma_wait3A_275] : memref<3x32x1024xf32, #tpu.memory_space<vmem>> -> memref<1x32x1024xf32, #tpu.memory_space<vmem>>
    %dma_wait3A_277 = tpu.memref_squeeze %dma_wait3A_276 : memref<1x32x1024xf32, #tpu.memory_space<vmem>> -> memref<32x1024xf32, #tpu.memory_space<vmem>>
    %dma_wait3A_278 = arith.constant 0 : i32
    %dma_wait3A_279 = arith.constant 0 : i32
    %dma_wait3A_280 = tpu.memref_slice %arg3[%dma_wait3A_278, %dma_wait3A_279] : memref<8194x1024xf32, #tpu.memory_space<hbm>> -> memref<32x1024xf32, #tpu.memory_space<hbm>>
    %dma_wait3A_281 = arith.constant 0 : i32
    %dma_wait3A_282 = arith.constant 0 : i32
    %dma_wait3A_283 = tpu.memref_slice %arg7[%dma_wait3A_273, %dma_wait3A_281, %dma_wait3A_282] : memref<3x32x1024xf32, #tpu.memory_space<vmem>> -> memref<1x32x1024xf32, #tpu.memory_space<vmem>>
    %dma_wait3A_284 = tpu.memref_squeeze %dma_wait3A_283 : memref<1x32x1024xf32, #tpu.memory_space<vmem>> -> memref<32x1024xf32, #tpu.memory_space<vmem>>
    %dma_wait3A_285 = arith.constant 0 : i32
    %dma_wait3A_286 = arith.constant 0 : i32
    %dma_wait3A_287 = tpu.memref_slice %arg3[%dma_wait3A_285, %dma_wait3A_286] : memref<8194x1024xf32, #tpu.memory_space<hbm>> -> memref<32x1024xf32, #tpu.memory_space<hbm>>
    tpu.wait_dma2 semaphore(%arg9 : memref<!tpu.dma_semaphore, #tpu.memory_space<semaphore_mem>>) src(%dma_wait3A_287 : memref<32x1024xf32, #tpu.memory_space<hbm>>) dst(%dma_wait3A_284 : memref<32x1024xf32, #tpu.memory_space<vmem>>)
    %add3A_288 = arith.constant 992 : i32
    %add3A_289 = arith.addi %mul3A_171, %add3A_288 : i32
    %dma_start3A_290 = arith.constant 1 : i32
    %dma_start3A_291 = arith.constant 0 : i32
    %dma_start3A_292 = arith.constant 0 : i32
    %dma_start3A_293 = tpu.memref_slice %arg7[%dma_start3A_290, %dma_start3A_291, %dma_start3A_292] : memref<3x32x1024xf32, #tpu.memory_space<vmem>> -> memref<1x32x1024xf32, #tpu.memory_space<vmem>>
    %dma_start3A_294 = tpu.memref_squeeze %dma_start3A_293 : memref<1x32x1024xf32, #tpu.memory_space<vmem>> -> memref<32x1024xf32, #tpu.memory_space<vmem>>
    %dma_start3A_295 = arith.constant 0 : i32
    %dma_start3A_296 = tpu.memref_slice %arg4[%add3A_289, %dma_start3A_295] : memref<32768x1024xf32, #tpu.memory_space<hbm>> -> memref<32x1024xf32, #tpu.memory_space<hbm>>
    %dma_start3A_297 = arith.constant 0 : i32
    %dma_start3A_298 = tpu.memref_slice %arg4[%add3A_289, %dma_start3A_297] : memref<32768x1024xf32, #tpu.memory_space<hbm>> -> memref<32x1024xf32, #tpu.memory_space<hbm>>
    %dma_start3A_299 = arith.constant 0 : i32
    %dma_start3A_300 = arith.constant 0 : i32
    %dma_start3A_301 = tpu.memref_slice %arg7[%dma_start3A_290, %dma_start3A_299, %dma_start3A_300] : memref<3x32x1024xf32, #tpu.memory_space<vmem>> -> memref<1x32x1024xf32, #tpu.memory_space<vmem>>
    %dma_start3A_302 = tpu.memref_squeeze %dma_start3A_301 : memref<1x32x1024xf32, #tpu.memory_space<vmem>> -> memref<32x1024xf32, #tpu.memory_space<vmem>>
    tpu.enqueue_dma source(%dma_start3A_302 : memref<32x1024xf32, #tpu.memory_space<vmem>>) target(%dma_start3A_298 : memref<32x1024xf32, #tpu.memory_space<hbm>>) target_semaphore(%arg12 : memref<!tpu.dma_semaphore, #tpu.memory_space<semaphore_mem>>)
    %dma_wait3A_303 = arith.constant 0 : i32
    %dma_wait3A_304 = tpu.memref_slice %arg4[%mul3A_171, %dma_wait3A_303] : memref<32768x1024xf32, #tpu.memory_space<hbm>> -> memref<32x1024xf32, #tpu.memory_space<hbm>>
    %dma_wait3A_305 = arith.constant 0 : i32
    %dma_wait3A_306 = arith.constant 0 : i32
    %dma_wait3A_307 = tpu.memref_slice %arg3[%dma_wait3A_305, %dma_wait3A_306] : memref<8194x1024xf32, #tpu.memory_space<hbm>> -> memref<32x1024xf32, #tpu.memory_space<hbm>>
    tpu.wait_dma2 semaphore(%arg11 : memref<!tpu.dma_semaphore, #tpu.memory_space<semaphore_mem>>) src(%dma_wait3A_307 : memref<32x1024xf32, #tpu.memory_space<hbm>>) dst(%dma_wait3A_304 : memref<32x1024xf32, #tpu.memory_space<hbm>>)
    %dma_wait3A_308 = arith.constant 0 : i32
    %dma_wait3A_309 = tpu.memref_slice %arg4[%mul3A_171, %dma_wait3A_308] : memref<32768x1024xf32, #tpu.memory_space<hbm>> -> memref<32x1024xf32, #tpu.memory_space<hbm>>
    %dma_wait3A_310 = arith.constant 0 : i32
    %dma_wait3A_311 = arith.constant 0 : i32
    %dma_wait3A_312 = tpu.memref_slice %arg3[%dma_wait3A_310, %dma_wait3A_311] : memref<8194x1024xf32, #tpu.memory_space<hbm>> -> memref<32x1024xf32, #tpu.memory_space<hbm>>
    tpu.wait_dma2 semaphore(%arg12 : memref<!tpu.dma_semaphore, #tpu.memory_space<semaphore_mem>>) src(%dma_wait3A_312 : memref<32x1024xf32, #tpu.memory_space<hbm>>) dst(%dma_wait3A_309 : memref<32x1024xf32, #tpu.memory_space<hbm>>)
    %dma_wait3A_313 = arith.constant 0 : i32
    %dma_wait3A_314 = tpu.memref_slice %arg4[%mul3A_171, %dma_wait3A_313] : memref<32768x1024xf32, #tpu.memory_space<hbm>> -> memref<32x1024xf32, #tpu.memory_space<hbm>>
    %dma_wait3A_315 = arith.constant 0 : i32
    %dma_wait3A_316 = arith.constant 0 : i32
    %dma_wait3A_317 = tpu.memref_slice %arg3[%dma_wait3A_315, %dma_wait3A_316] : memref<8194x1024xf32, #tpu.memory_space<hbm>> -> memref<32x1024xf32, #tpu.memory_space<hbm>>
    tpu.wait_dma2 semaphore(%arg13 : memref<!tpu.dma_semaphore, #tpu.memory_space<semaphore_mem>>) src(%dma_wait3A_317 : memref<32x1024xf32, #tpu.memory_space<hbm>>) dst(%dma_wait3A_314 : memref<32x1024xf32, #tpu.memory_space<hbm>>)
    return
  }
}

</mosaic_0001>

<sc_bundles>
// kernel: kernel.3.cloned.1.call-start
scs
__scs_entry_jumppad:
0x0: {  	(pc) =	sbr.rel $0x88, $3  }
0x1: {  	(tag) =	ssettag $0x0;
	lr =	simm.s32 $0x1  }
0x2: {  	[smem:$0x3F9F] =	sst lr;
	_ =	strace $0xD0000000  }
0x3: {  	_ = 	snop  }
0x4: {  	_ = 	snop  }
0x5: {  	_ = 	snop  }
0x6: {  	_ = 	snop  }
0x7: {  	_ = 	snop  }
__scs_overlays_trampoline_lowered:
0x8: {  	[smem:$0x3FAE] =	sst s0  }
0x9: {  	[smem:$0x3FAF] =	sst s1  }
0xa: {  	[smem:$0x3FB0] =	sst s2  }
0xb: {  	[smem:$0x3FB1] =	sst s3  }
0xc: {  	[smem:$0x3FB2] =	sst s4  }
0xd: {  	[smem:$0x3FB3] =	sst s5  }
0xe: {  	[smem:$0x3FB4] =	sst s6  }
0xf: {  	[smem:$0x3FB5] =	sst s7  }
0x10: {  	[smem:$0x3FB6] =	sst s8  }
0x11: {  	[smem:$0x3FB7] =	sst s9;
	s0 =	simm.s32 @!p0 $0x0  }
0x12: {  	s1 =	sld [smem:$0x3F9D];
	s0 =	simm.s32 @p0 $0x1  }
0x13: {  	[smem:$0x3FB8] =	sst s0;
	s0 =	simm.s32 @!p1 $0x0  }
0x14: {  	s2 =	sld [smem:$0x3F9C];
	s0 =	simm.s32 @p1 $0x1  }
0x15: {  	[smem:$0x3FB9] =	sst s0;
	s0 =	simm.s32 @!p2 $0x0  }
0x16: {  	s3 =	sld [smem:$0x3FDB];
	s0 =	simm.s32 @p2 $0x1  }
0x17: {  	s4 =	simm.s32 $0x1BF5;
	[smem:$0x3FBB] =	sst s0  }
0x18: {  	s0 =	sld [smem:$0x3F9E];
	_ =	swait.ge [sflag:s4], $0x0  }
0x19: {  	s7 =	sld [smem:$0x3F9F]  }
0x1a: {  	s8 =	sadd.s32 $0xFFFFE003, lr  }
0x1b: {  	s9 =	sadd.s32 $0xFFFFFEF7, lr;
	s5 =	simm.s32 $0xFFFFFFFF;
	p2 =	slt.u32 s8, $0xFFFFF086  }
0x1c: {  	p1 =	slt.u32 s9, $0xF7A;
	s5 =	simm.s32 @!p2 $0x0  }
0x1d: {  	s5 =	simm.s32 @p1 $0x1;
	p0 =	seq.s32 s7, s2  }
0x1e: {  	s7 =	smul.u32 @!p0 $0xF7A, s2;
	p2 =	seq.s32 @!p0 s5, $0x0  }
0x1f: {  	s9 =	smul.u32 $0xF7A, s1;
	s8 =	simm.s32 @!p0 $0x1BF5;
	p2 =	por !p2, p0  }
0x20: {  	[sflag:s8] =	ssyncset.s32 @!p0 $0xFFFFF086;
	s6 =	sadd.s32 @!p0 s3, s7;
	s7 =	simm.s32 @!p0 $0x108  }
0x21: {  	s3 =	sadd.s32 s3, s9;
	s6 =	sadd.s32 @!p0 $0x88, s6;
	s7 =	simm.s32 @p2 $0x1082  }
0x22: {  	[simem:s7], [sflag:s8] =	dma.local @!p0 [hbm:s6], $0xF7A  }
0x23: {  	s9 =	sor.u32 $0xD0000000, s2;
	s6 =	simm.s32 $0x108;
	_ =	swait.ge @!p0 [sflag:s8], $0x0  }
0x24: {  	s3 =	sadd.s32 $0x88, s3;
	s6 =	simm.s32 @!p1 $0x1082;
	[sflag:s4] =	ssyncset.s32 $0xFFFFF086  }
0x25: {  	[simem:s6], [sflag:s4] =	dma.local [hbm:s3], $0xF7A  }
0x26: {  	[smem:$0x3F9F] =	sst s1;
	(tag) =	ssettag s2;
	_ =	strace s9  }
0x27: {  	s1 =	sld [smem:$0x3FAF]  }
0x28: {  	s2 =	sld [smem:$0x3FB0]  }
0x29: {  	s4 =	sld [smem:$0x3FB2]  }
0x2a: {  	p0 =	seq.s32 s5, $0x0;
	s5 =	sld [smem:$0x3FB3]  }
0x2b: {  	s6 =	sld [smem:$0x3FB4]  }
0x2c: {  	s7 =	sld [smem:$0x3FB5]  }
0x2d: {  	s3 =	simm.s32 $0x108;
	s8 =	sld [smem:$0x3FB6]  }
0x2e: {  	s3 =	simm.s32 @!p0 $0x1082;
	s9 =	sld [smem:$0x3FB7]  }
0x2f: {  	lr =	sadd.s32 s0, s3;
	s0 =	sld [smem:$0x3FAE]  }
0x30: {  	s3 =	sld [smem:$0x3FB1]  }
0x31: {  	[smem:$0x3FBA] =	sst s10  }
0x32: {  	s10 =	sld [smem:$0x3FB8];
	_ =	sdelay $0x3  }
0x33: {  	p0 =	seq.s32 s10, $0x1;
	s10 =	sld [smem:$0x3FBA];
	_ =	sdelay $0x3  }
0x34: {  	[smem:$0x3FBA] =	sst s10  }
0x35: {  	s10 =	sld [smem:$0x3FB9];
	_ =	sdelay $0x3  }
0x36: {  	p1 =	seq.s32 s10, $0x1;
	s10 =	sld [smem:$0x3FBA];
	_ =	sdelay $0x3  }
0x37: {  	[smem:$0x3FBA] =	sst s10  }
0x38: {  	s10 =	sld [smem:$0x3FBB]  }
0x39: {  	_ = 	snop;
	(pc) =	sbr.ind lr, $3  }
0x3a: {  	_ = 	snop  }
0x3b: {  	_ = 	snop  }
0x3c: {  	p2 =	seq.s32 s10, $0x1;
	s10 =	sld [smem:$0x3FBA]  }
0x3d: {  	_ =	shalt  }
0x3e: {  	_ =	shalt  }
0x3f: {  	_ =	shalt  }
0x40: {  	_ =	shalt  }
0x41: {  	_ =	shalt  }
0x42: {  	_ =	shalt  }
0x43: {  	_ =	shalt  }
0x44: {  	_ =	shalt  }
0x45: {  	_ =	shalt  }
0x46: {  	_ =	shalt  }
0x47: {  	_ =	shalt  }
0x48: {  	_ =	shalt  }
0x49: {  	_ =	shalt  }
0x4a: {  	_ =	shalt  }
0x4b: {  	_ =	shalt  }
0x4c: {  	_ =	shalt  }
0x4d: {  	_ =	shalt  }
0x4e: {  	_ =	shalt  }
0x4f: {  	_ =	shalt  }
0x50: {  	_ =	shalt  }
0x51: {  	_ =	shalt  }
0x52: {  	_ =	shalt  }
0x53: {  	_ =	shalt  }
0x54: {  	_ =	shalt  }
0x55: {  	_ =	shalt  }
0x56: {  	_ =	shalt  }
0x57: {  	_ =	shalt  }
0x58: {  	_ =	shalt  }
0x59: {  	_ =	shalt  }
0x5a: {  	_ =	shalt  }
0x5b: {  	_ =	shalt  }
0x5c: {  	_ =	shalt  }
0x5d: {  	_ =	shalt  }
0x5e: {  	_ =	shalt  }
0x5f: {  	_ =	shalt  }
0x60: {  	_ =	shalt  }
0x61: {  	_ =	shalt  }
0x62: {  	_ =	shalt  }
0x63: {  	_ =	shalt  }
0x64: {  	_ =	shalt  }
0x65: {  	_ =	shalt  }
0x66: {  	_ =	shalt  }
0x67: {  	_ =	shalt  }
0x68: {  	_ =	shalt  }
0x69: {  	_ =	shalt  }
0x6a: {  	_ =	shalt  }
0x6b: {  	_ =	shalt  }
0x6c: {  	_ =	shalt  }
0x6d: {  	_ =	shalt  }
0x6e: {  	_ =	shalt  }
0x6f: {  	_ =	shalt  }
0x70: {  	_ =	shalt  }
0x71: {  	_ =	shalt  }
0x72: {  	_ =	shalt  }
0x73: {  	_ =	shalt  }
0x74: {  	_ =	shalt  }
0x75: {  	_ =	shalt  }
0x76: {  	_ =	shalt  }
0x77: {  	_ =	shalt  }
0x78: {  	_ =	shalt  }
0x79: {  	_ =	shalt  }
0x7a: {  	_ =	shalt  }
0x7b: {  	_ =	shalt  }
0x7c: {  	_ =	shalt  }
0x7d: {  	_ =	shalt  }
0x7e: {  	_ =	shalt  }
0x7f: {  	_ =	shalt  }
0x80: {  	_ =	shalt  }
0x81: {  	_ =	shalt  }
0x82: {  	_ =	shalt  }
0x83: {  	_ =	shalt  }
0x84: {  	_ =	shalt  }
0x85: {  	_ =	shalt  }
0x86: {  	_ =	shalt  }
0x87: {  	_ =	shalt  }
.Lfunc_end0:
.L_simem_size_0:
called_computation_lowered:
.L_overlay_start_0:
0x88: {  	s2 =	sld [smem:$0x3FD9]  }
0x89: {  	s3 =	sld [smem:$0x3FFE];
	_ =	sdelay $0x1  }
0x8a: {  	s1 =	srdreg.scid  }
0x8b: {  	s0 =	sand.u32 $0x1, s1  }
0x8c: {  	s17 =	sshll.u32 s0, $0xA;
	s2 =	sadd.s32 s3, s2  }
0x8d: {  	s2 =	sadd.s32 s2, s17  }
0x8e: {  	[smem:$0x3FC6] =	sst s2  }
0x8f: {  	_ = 	snop  }
0x90: {  	s2 =	sld [smem:$0x3FC8]  }
0x91: {  	s18 =	sld [smem:$0x3FD0];
	(tm) =	ssettm $0x1  }
0x92: {  	s4 =	sld [smem:$0x3FFB];
	_ =	sdelay $0x3  }
0x93: {  	_ =	strace s4  }
0x94: {  	s4 =	sld [smem:$0x3FFC];
	_ =	sdelay $0x3  }
0x95: {  	_ =	strace s4  }
0x96: {  	s4 =	sld [smem:$0x3FFD];
	_ =	sdelay $0x3  }
0x97: {  	_ =	strace s4  }
0x98: {  	_ =	strace $0x8FFFFFFF  }
0x99: {  	s19 =	sld [smem:$0x3FDB];
	_ =	sdelay $0x1  }
0x9a: {  	s5 =	simm.s32 $_scs_section_size  }
0x9b: {  	s6 =	simm.s32 $_size__tile_overlayer_lowered;
	s7 =	simm.s32 $_tile_overlayer_lowered  }
0x9c: {  	s22 =	simm.s32 $0x1BFF;
	s21 =	sshll.u32 s7, $0x1;
	s4 =	sadd.s32 s5, s19  }
0x9d: {  	s8 =	simm.s32 $0x0;
	s20 =	sshll.u32 s6, $0x1;
	s6 =	sadd.s32 s21, s4  }
0x9e: {  	[timem:s8], [sflag:s22] =	dma.local [hbm:s6], s20  }
0x9f: {  	_ =	swait.ge [sflag:s22], s20  }
0xa0: {  	s5 =	ssub.s32 $0x0, s20;
	[sflag:s22] =	ssyncset.done $0x0  }
0xa1: {  	[sflag:s22] =	ssyncadd.s32 s5;
	_ =	sdelay $0x1  }
0xa2: {  	s23 =	simm.s32 $0x1B8B  }
0xa3: {  	_ =	swait.ge [sflag:s23], $0x1  }
0xa4: {  	[sflag:s23] =	ssyncset.done $0x0  }
0xa5: {  	s25 =	simm.s32 $0x1B8E;
	s24 =	sld [smem:$0x3FFE];
	[sflag:s23] =	ssyncadd.s32 $0xFFFFFFFF  }
0xa6: {  	s26 =	simm.s32 $execute0_lowered;
	[smem:$0x3FD2] =	sst s25  }
0xa7: {  	s6 =	sshll.u32 s26, $0x1;
	_ =	strace $0x80000046;
	[dreg:$0x1] =	wrdreg $0xFFFFFFFF  }
0xa8: {  	s28 =	simm.s32 $_size_execute0_lowered;
	s4 =	sadd.s32 s4, s6;
	[dreg:$0x0] =	wrdreg $0x0  }
0xa9: {  	s6 =	sshll.u32 s28, $0x1;
	[dreg:$0x2] =	wrdreg s4  }
0xaa: {  	[dreg:$0x3] =	wrdreg s6  }
0xab: {  	[dreg:$0x4] =	wrdreg $0xC0  }
0xac: {  	_ =	task [dreg:s8], $0x5FFFF  }
0xad: {  	[dreg:$0x1] =	wrdreg $0xFFFFFFFF  }
0xae: {  	[dreg:$0x0] =	wrdreg $0x60  }
0xaf: {  	[dreg:$0x2] =	wrdreg s24  }
0xb0: {  	[dreg:$0x3] =	wrdreg s2  }
0xb1: {  	[dreg:$0x4] =	wrdreg s18  }
0xb2: {  	[dreg:$0x5] =	wrdreg $0x9  }
0xb3: {  	_ =	task.clear_ibuf [dreg:s8], $0x6FFFF;
	_ =	strace $0x90000046  }
0xb4: {  	s29 =	simm.s32 $0x9;
	_ =	strace $0x80000048  }
0xb5: {  	_ =	swait.ge [sflag:s29], $0x1  }
0xb6: {  	[sflag:s29] =	ssyncadd.s32 $0xFFFFFFFF  }
0xb7: {  	_ =	strace $0x90000048  }
0xb8: {  	_ =	sfence  }
0xb9: {  	s30 =	sld [smem:$0x0];
	_ =	sdelay $0x2  }
0xba: {  	s31 =	sshll.u32 s1, $0xD;
	s1 =	sshrl.u32 s1, $0x2  }
0xbb: {  	s3 =	sand.u32 $0x4000, s31;
	s1 =	sadd.s32 s1, s30  }
0xbc: {  	s0 =	sor.u32 s3, s0;
	s1 =	sshll.u32 s1, $0x11  }
0xbd: {  	s0 =	sor.u32 s1, s0  }
0xbe: {  	s0 =	sadd.s32 $0x8F2B, s0  }
0xbf: {  	[sflag:s0] =	ssyncadd.remote.s32 $0x1  }
0xc0: {  	_ =	sfence.sel $0xFFFF  }
0xc1: {  	[dreg:$0x0] =	wrdreg $0xFFFFFFFF;
	(pc) =	sbr.abs _section_cstart, $3  }
0xc2: {  	[dreg:$0x1] =	wrdreg $0xFFFFFFFF  }
0xc3: {  	_ =	task.clear_ibuf [dreg:s8], $0x2FFFF;
	_ =	strace $0x9FFFFFFF  }
0xc4: {  	(tm) =	ssettm $0x7FFFFFFF  }
0xc5: {  	_ =	shalt  }
tec
execute0_lowered:
.L_overlay_start_1:
0x0: {  	(tag) =	ssettag $0x1  }
0x1: {  	s5 =	rddreg [dreg:$0x0]  }
0x2: {  	s0 =	srdreg.scid;
	s2 =	rddreg [dreg:$0x1]  }
0x3: {  	s12 =	stileid.u32;
	s6 =	simm.s32 $0x1;
	s11 =	rddreg [dreg:$0x2]  }
0x4: {  	s3 =	simm.s32 $0x0;
	s29 =	simm.s32 $0x13C00;
	s30 =	simm.s32 $0x14400  }
0x5: {  	s31 =	simm.s32 $0x14C00;
	s13 =	simm.s32 $0x16C00;
	s14 =	simm.s32 $0x17400  }
0x6: {  	s15 =	simm.s32 $0x17C00;
	s16 =	simm.s32 $0x19C00;
	s18 =	simm.s32 $0x4  }
0x7: {  	s19 =	simm.s32 $0x5;
	s20 =	simm.s32 $0x6;
	s17 =	simm.s32 $0x0  }
0x8: {  	s0 =	sand.u32 $0x1, s0;
	s4 =	sand.u32 $0x7, s12;
	[smem:$0x7FF] =	sst s3  }
0x9: {  	v0 =	vimm.s32 $0xEDCBA987;
	v1 =	vimm.s32 $0x65432100;
	vm0 =	vcmask $0x300;
	s8 =	sadd.s32 $0x100, s2;
	s9 =	sadd.s32 $0x200, s2;
	s10 =	sadd.s32 $0x300, s2  }
0xa: {  	v2 =	vimm.s32 $0x54321000;
	v3 =	vimm.s32 $0xDCBA9876;
	v4 =	vimm.s32 $0xFFFFFFFF;
	s25 =	sshll.u32 s12, $0x11;
	s1 =	sshll.u32 s0, $0x4;
	p1 =	sne.s32 s4, $0x0  }
0xb: {  	v5 =	vimm.s32 $0xE40000;
	v6 =	vimm.s32 $0x32100000;
	v7 =	vimm.s32 $0xBA987654;
	_ =	strace $0x80000047;
	s21 =	ssub.s32 $0x2, s0;
	s23 =	sshll.u32 s4, $0x6  }
0xc: {  	v8 =	vimm.s32 $0x7060504;
	v11 =	vlaneseq.u32;
	v0 =	vunpack.c.l.s4.s8 v0;
	s0 =	sshll.u32 s0, $0x15;
	s1 =	sor.u32 s12, s1;
	s22 =	sshrl.u32 s21, $0x1  }
0xd: {  	v1 =	vunpack.c.l.s4.s8 v1;
	v2 =	vunpack.c.l.s4.s8 v2;
	v3 =	vunpack.c.l.s4.s8 v3;
	[dreg:$0x5] =	wrdreg s23;
	s0 =	sadd.s32 s0, s11;
	p0 =	seq.s32 s1, $0x0  }
0xe: {  	v5 =	vunpack.c.l.s2.s4 v5;
	v6 =	vunpack.c.l.s4.s8 v6;
	v7 =	vunpack.c.l.s4.s8 v7;
	s12 =	simm.s32 $0x16400;
	s7 =	sshrl.u32 s1, $0x3;
	p0 =	por !p1, !p0  }
0xf: {  	v8 =	vunpack.c.0.s8.s32 v8;
	v10 =	vshrl.u32 v11, $0x3;
	v0 =	vunpack.c.0.s8.s32 v0;
	s1 =	sshll.u32 s1, $0x11;
	s0 =	sadd.s32 s25, s0;
	p0 =	por !p0, !p0  }
0x10: {  	v1 =	vunpack.c.0.s8.s32 v1;
	v3 =	vunpack.c.0.s8.s32 v3;
	v5 =	vunpack.c.l.s4.s8 v5;
	s24 =	sadd.s32 s11, s1;
	s0 =	sadd.s32 $0x2000, s0;
	s6 =	simm.s32 @!p0 $0x0  }
0x11: {  	v2 =	vunpack.c.0.s8.s32 v2;
	v6 =	vunpack.c.0.s8.s32 v6;
	v7 =	vunpack.c.0.s8.s32 v7;
	s1 =	simm.s32 $0x15400;
	s11 =	simm.s32 $0x18400;
	s6 =	ssub.s32 s7, s6  }
0x12: {  	v0 =	vand.u32 $0xF, v0;
	v3 =	vand.u32 $0xF, v3;
	v5 =	vunpack.c.0.s8.s32 v5;
	s26 =	sadd.s32 $0x1000, s24;
	[dreg:$0x6] =	wrdreg s24;
	s6 =	sshll.u32 s6, $0xA  }
0x13: {  	[dreg:$0xa] =	wrdreg s0;
	v0 =	vcombine.low v1, v0;
	v1 =	vsel vm0, $0x0, v4;
	vm0 =	vcmask $0x700;
	s0 =	simm.s32 $0x15C00;
	s6 =	sand.u32 $0x1FFFFC00, s6  }
.Ltmp0:
0x14: {  	v7 =	vand.u32 $0xF, v7;
	v2 =	vcombine.low v2, v3;
	[dreg:$0x7] =	wrdreg s26;
	v3 =	vsel vm0, $0x0, v4;
	s5 =	sadd.s32 s6, s5;
	(pc) =	sbr.rel .LBB2_1-.Ltmp0, $4  }
0x15: {  	p0 =	seq.s32 s4, $0x0;
	vm0 =	vcmask $0xF00;
	v9 =	vand.u32 $0x3, v5;
	v5 =	vcombine.low v6, v7;
	s6 =	ssub.s32 s21, s22;
	s5 =	sadd.s32 $0x400, s5  }
0x16: {  	v7 =	vmul.u32 $0xFFFFFFFF, v10;
	s7 =	sshll.u32 s4, $0xA;
	v4 =	vsel vm0, $0x0, v4;
	vm0 =	vcmask $0x3F30;
	s28 =	smax.u32 s6, $0x1;
	[dreg:$0x4] =	wrdreg s5  }
0x17: {  	v10 =	vmul.u32 $0x8, v10;
	s4 =	simm.s32 $0x19400;
	v6 =	vsel vm0, v8, v9;
	v8 =	vimm.s32 $0xF;
	s5 =	sadd.s32 $0x1F000, s24;
	[dreg:$0x9] =	wrdreg s28  }
0x18: {  	v9 =	vand.u32 $0x7, v11;
	vm0 =	vmmov $0xffff;
	v11 =	vor.u32 $0x8, v11;
	s6 =	simm.s32 $0x18C00;
	[dreg:$0x8] =	wrdreg s5;
	s5 =	simm.s32 $0xA400  }
.LBB2_14:
0x19: {  	s21 =	simm.s32 $0x2  }
0x1a: {  	_ =	swait.ge [sflag:s21], $0x8000  }
0x1b: {  	[sflag:s21] =	ssyncset.done $0x0  }
0x1c: {  	s26 =	rddreg [dreg:$0x8];
	[sflag:s21] =	ssyncadd.s32 $0xFFFF8000  }
0x1d: {  	[hbm4b:s26+s3] =	stream.linear.scatter [tilespmem:s5], [sflag:$0x5], $0x8000, $0x38;
	[tilespmem:$0x1A400] =	vst v63  }
0x1e: {  	_ =	swait.ge [sflag:s18], $0x1000  }
0x1f: {  	[sflag:s18] =	ssyncset.done $0x0  }
0x20: {  	[sflag:s18] =	ssyncadd.s32 $0xFFFFF000  }
0x21: {  	_ =	swait.ge [sflag:s19], $0x1000  }
0x22: {  	[sflag:s19] =	ssyncset.done $0x0  }
0x23: {  	[sflag:s19] =	ssyncadd.s32 $0xFFFFF000  }
0x24: {  	_ =	swait.ge [sflag:s20], $0x1000  }
0x25: {  	s17 =	sadd.s32 $0x1, s17;
	s28 =	rddreg [dreg:$0x9]  }
0x26: {  	p1 =	sne.s32 s17, s28  }
.Ltmp1:
0x27: {  	_ = 	snop;
	(pc) =	sbr.rel @!p1 .LBB2_15-.Ltmp1, $3  }
0x28: {  	_ =	sdelay $0x1  }
0x29: {  	[sflag:s20] =	ssyncset.done $0x0  }
0x2a: {  	[sflag:s20] =	ssyncadd.s32 $0xFFFFF000  }
.LBB2_1:
.Ltmp2:
0x2b: {  	s21 =	rddreg [dreg:$0x4];
	s28 =	simm.s32 $0x7;
	(pc) =	sbr.rel @p0 .LBB2_5-.Ltmp2, $4  }
0x2c: {  	[tilespmem:s3], [sflag:$0x7] =	stream.linear.gather [hbm4b:s21+s3], $0x2000, $0x38;
	[tilespmem:$0x1A400] =	vst v63  }
0x2d: {  	_ =	swait.ge [sflag:s28], $0x2000  }
0x2e: {  	[sflag:s28] =	ssyncset.done $0x0  }
0x2f: {  	v12 =	vimm.s32 $0x0;
	[sflag:s28] =	ssyncadd.s32 $0xFFFFE000  }
0x30: {  	s21 =	rddreg [dreg:$0x5]  }
0x31: {  	v13 =	vld [tilespmem:s3+$0x0];
	p1 =	sne.s32 s21, $0x1  }
.Ltmp3:
0x32: {  	_ = 	snop;
	(pc) =	sbr.rel @!p1 .LBB2_4-.Ltmp3, $2  }
0x33: {  	_ =	sdelay $0x2  }
0x34: {  	s22 =	sadd.s32 $0x10, s3;
	s21 =	sadd.s32 $0xFFFFFFFF, s21;
	vm1 =	vlt.s32 v13, $0x1  }
.LBB2_3:
0x35: {  	p1 =	sne.s32 s21, $0x1;
	s21 =	sadd.s32 $0xFFFFFFFF, s21;
	v14 =	vnsel vm1, $0x1, v13;
	v13 =	vld [tilespmem:s22+$0x0]  }
.Ltmp4:
0x36: {  	v12 =	vadd.s32 v12, v14;
	(pc) =	sbr.rel @p1 .LBB2_3-.Ltmp4, $2  }
0x37: {  	_ =	sdelay $0x2  }
0x38: {  	s22 =	sadd.s32 $0x10, s22;
	vm1 =	vlt.s32 v13, $0x1  }
.LBB2_4:
0x39: {  	v13 =	vnsel vm1, $0x1, v13  }
0x3a: {  	v12 =	vadd.s32 v12, v13  }
.LBB2_5:
0x3b: {  	v13 =	vld [tilespmem:s7+$0x0];
	_ =	sdelay $0x4  }
0x3c: {  	v14 =	vperm.xlane v12, v0;
	vm1 =	vlt.s32 v13, $0x1  }
0x3d: {  	v13 =	vnsel vm1, $0x1, v13  }
0x3e: {  	v14 =	vand.u32 v1, v14;
	v15 =	vperm.xlane v13, v0  }
0x3f: {  	v12 =	vadd.s32 v12, v14  }
0x40: {  	v14 =	vperm.xlane v12, v2;
	v15 =	vand.u32 v1, v15  }
0x41: {  	v15 =	vadd.s32 v13, v15  }
0x42: {  	v14 =	vand.u32 v3, v14;
	v16 =	vperm.xlane v15, v2  }
0x43: {  	v12 =	vadd.s32 v14, v12  }
0x44: {  	v14 =	vperm.xlane v12, v5;
	v16 =	vand.u32 v3, v16  }
0x45: {  	v15 =	vadd.s32 v16, v15  }
0x46: {  	v14 =	vand.u32 v4, v14;
	v16 =	vperm.xlane v15, v5  }
0x47: {  	v12 =	vadd.s32 v14, v12  }
0x48: {  	v14 =	vperm.xlane v12, v6;
	v16 =	vand.u32 v4, v16  }
0x49: {  	v15 =	vadd.s32 v16, v15  }
0x4a: {  	v14 =	vand.u32 v7, v14;
	v16 =	vperm.xlane v15, v6  }
0x4b: {  	v12 =	vadd.s32 v14, v12  }
0x4c: {  	v12 =	vperm.xlane v12, v8;
	v14 =	vand.u32 v7, v16  }
0x4d: {  	v14 =	vadd.s32 v14, v15  }
0x4e: {  	v15 =	vadd.s32 v12, v14  }
0x4f: {  	v13 =	vmul.u32 v13, v15;
	_ =	sdelay $0x1  }
0x50: {  	[tilespmem:$0x2000] =	vst v13  }
0x51: {  	v15 =	vld [tilespmem:s7+$0x10];
	_ =	sdelay $0x4  }
0x52: {  	vm1 =	vlt.s32 v15, $0x1  }
0x53: {  	v15 =	vnsel vm1, $0x1, v15  }
0x54: {  	v58 =	vperm.xlane v15, v0;
	_ =	sdelay $0x1  }
0x55: {  	v16 =	vand.u32 v1, v58  }
0x56: {  	v16 =	vadd.s32 v15, v16  }
0x57: {  	v17 =	vperm.xlane v16, v2;
	_ =	sdelay $0x1  }
0x58: {  	v17 =	vand.u32 v3, v17  }
0x59: {  	v16 =	vadd.s32 v17, v16  }
0x5a: {  	v17 =	vperm.xlane v16, v5;
	_ =	sdelay $0x1  }
0x5b: {  	v18 =	vshll.u32 v13, $0x3;
	v17 =	vand.u32 v4, v17  }
0x5c: {  	v13 =	vand.u32 $0x7, v13;
	v59 =	vand.u32 $0xFFFFFFC0, v18;
	v16 =	vadd.s32 v17, v16  }
0x5d: {  	v13 =	vor.u32 v13, v59;
	v60 =	vperm.xlane v16, v6  }
0x5e: {  	v14 =	vperm.xlane v14, v8;
	v17 =	vperm.xlane v13, v9  }
0x5f: {  	v18 =	vand.u32 v7, v60  }
0x60: {  	v12 =	vadd.s32 v12, v14;
	v61 =	vadd.s32 v10, v17;
	v14 =	vadd.s32 v18, v16  }
0x61: {  	v62 =	vadd.s32 v12, v14  }
0x62: {  	v15 =	vmul.u32 v15, v62;
	_ =	sdelay $0x1  }
0x63: {  	s21 =	simm.s32 $0x2400;
	[tilespmem:$0x2010] =	vst v15  }
0x64: {  	[tilespmem:s21], [sflag:$0x1] =	stream.indirect_vreg.gather [hbm4b:s2+s3], $0x80, v61, vm0, $0xb8;
	[tilespmem:$0x1A400] =	vst v63  }
0x65: {  	s24 =	simm.s32 $0x2C00;
	v13 =	vperm.xlane v13, v11  }
0x66: {  	[tilespmem:s24], [sflag:$0x1] =	stream.indirect_vreg.gather [hbm4b:s8+s3], $0x80, v61, vm0, $0xb8;
	[tilespmem:$0x1A400] =	vst v63  }
0x67: {  	s25 =	simm.s32 $0x3400;
	v13 =	vadd.s32 v10, v13  }
0x68: {  	[tilespmem:s25], [sflag:$0x1] =	stream.indirect_vreg.gather [hbm4b:s9+s3], $0x80, v61, vm0, $0xb8;
	[tilespmem:$0x1A400] =	vst v63  }
0x69: {  	s26 =	simm.s32 $0x3C00  }
0x6a: {  	[tilespmem:s26], [sflag:$0x1] =	stream.indirect_vreg.gather [hbm4b:s10+s3], $0x80, v61, vm0, $0xb8;
	[tilespmem:$0x1A400] =	vst v63  }
0x6b: {  	s28 =	simm.s32 $0x4400  }
0x6c: {  	[tilespmem:s28], [sflag:$0x1] =	stream.indirect_vreg.gather [hbm4b:s2+s3], $0x80, v13, vm0, $0xb8;
	[tilespmem:$0x1A400] =	vst v63  }
0x6d: {  	s22 =	simm.s32 $0x4C00  }
0x6e: {  	[tilespmem:s22], [sflag:$0x1] =	stream.indirect_vreg.gather [hbm4b:s8+s3], $0x80, v13, vm0, $0xb8;
	[tilespmem:$0x1A400] =	vst v63  }
0x6f: {  	s23 =	simm.s32 $0x5400  }
0x70: {  	[tilespmem:s23], [sflag:$0x1] =	stream.indirect_vreg.gather [hbm4b:s9+s3], $0x80, v13, vm0, $0xb8;
	[tilespmem:$0x1A400] =	vst v63  }
0x71: {  	s24 =	simm.s32 $0x5C00  }
0x72: {  	[tilespmem:s24], [sflag:$0x1] =	stream.indirect_vreg.gather [hbm4b:s10+s3], $0x80, v13, vm0, $0xb8;
	[tilespmem:$0x1A400] =	vst v63  }
0x73: {  	v13 =	vld [tilespmem:$0x2010];
	_ =	sdelay $0x4  }
0x74: {  	v15 =	vshll.u32 v13, $0x3  }
0x75: {  	v13 =	vand.u32 $0x7, v13;
	v15 =	vand.u32 $0xFFFFFFC0, v15  }
0x76: {  	v13 =	vor.u32 v13, v15  }
0x77: {  	v15 =	vperm.xlane v13, v9;
	_ =	sdelay $0x1  }
0x78: {  	v15 =	vadd.s32 v10, v15;
	_ =	sdelay $0x3  }
0x79: {  	s25 =	simm.s32 $0x6400  }
0x7a: {  	[tilespmem:s25], [sflag:$0x1] =	stream.indirect_vreg.gather [hbm4b:s2+s3], $0x80, v15, vm0, $0xb8;
	[tilespmem:$0x1A400] =	vst v63  }
0x7b: {  	s26 =	simm.s32 $0x6C00;
	v13 =	vperm.xlane v13, v11  }
0x7c: {  	[tilespmem:s26], [sflag:$0x1] =	stream.indirect_vreg.gather [hbm4b:s8+s3], $0x80, v15, vm0, $0xb8;
	[tilespmem:$0x1A400] =	vst v63  }
0x7d: {  	s28 =	simm.s32 $0x7400;
	v13 =	vadd.s32 v10, v13  }
0x7e: {  	[tilespmem:s28], [sflag:$0x1] =	stream.indirect_vreg.gather [hbm4b:s9+s3], $0x80, v15, vm0, $0xb8;
	[tilespmem:$0x1A400] =	vst v63  }
0x7f: {  	s22 =	simm.s32 $0x7C00  }
0x80: {  	[tilespmem:s22], [sflag:$0x1] =	stream.indirect_vreg.gather [hbm4b:s10+s3], $0x80, v15, vm0, $0xb8;
	[tilespmem:$0x1A400] =	vst v63  }
0x81: {  	s23 =	simm.s32 $0x8400;
	s28 =	simm.s32 $0x20  }
0x82: {  	[tilespmem:s23], [sflag:$0x1] =	stream.indirect_vreg.gather [hbm4b:s2+s3], $0x80, v13, vm0, $0xb8;
	[tilespmem:$0x1A400] =	vst v63  }
0x83: {  	s24 =	simm.s32 $0x8C00;
	s22 =	sand.u32 $0x380, s28  }
0x84: {  	[tilespmem:s24], [sflag:$0x1] =	stream.indirect_vreg.gather [hbm4b:s8+s3], $0x80, v13, vm0, $0xb8;
	[tilespmem:$0x1A400] =	vst v63  }
0x85: {  	s25 =	simm.s32 $0x9400;
	s21 =	sand.u32 $0x70, s28;
	s22 =	sadd.s32 s22, s7  }
0x86: {  	[tilespmem:s25], [sflag:$0x1] =	stream.indirect_vreg.gather [hbm4b:s9+s3], $0x80, v13, vm0, $0xb8;
	[tilespmem:$0x1A400] =	vst v63  }
0x87: {  	s26 =	simm.s32 $0x9C00;
	s21 =	sadd.s32 s21, s22  }
0x88: {  	[tilespmem:s26], [sflag:$0x1] =	stream.indirect_vreg.gather [hbm4b:s10+s3], $0x80, v13, vm0, $0xb8;
	[tilespmem:$0x1A400] =	vst v63  }
0x89: {  	v13 =	vld [tilespmem:s21+$0x0];
	_ =	sdelay $0x4  }
0x8a: {  	vm1 =	vlt.s32 v13, $0x1  }
0x8b: {  	v15 =	vnsel vm1, $0x1, v13  }
0x8c: {  	v13 =	vperm.xlane v15, v0;
	_ =	sdelay $0x1  }
0x8d: {  	v13 =	vand.u32 v1, v13  }
0x8e: {  	v13 =	vadd.s32 v15, v13  }
0x8f: {  	v63 =	vperm.xlane v13, v2;
	_ =	sdelay $0x1  }
0x90: {  	v16 =	vand.u32 v3, v63  }
0x91: {  	v13 =	vadd.s32 v16, v13  }
0x92: {  	v16 =	vperm.xlane v13, v5;
	_ =	sdelay $0x1  }
0x93: {  	v16 =	vand.u32 v4, v16  }
0x94: {  	v13 =	vadd.s32 v16, v13  }
0x95: {  	v16 =	vperm.xlane v13, v6  }
0x96: {  	v14 =	vperm.xlane v14, v8  }
0x97: {  	v16 =	vand.u32 v7, v16  }
0x98: {  	v12 =	vadd.s32 v12, v14;
	v13 =	vadd.s32 v16, v13  }
0x99: {  	s22 =	simm.s32 $0x30;
	v14 =	vadd.s32 v12, v13;
	v13 =	vperm.xlane v13, v8  }
0x9a: {  	s23 =	simm.s32 $0x40;
	s24 =	sand.u32 $0x380, s22;
	s21 =	simm.s32 $0x2020;
	v14 =	vmul.u32 v15, v14  }
.LBB2_6:
0x9b: {  	p1 =	sne.s32 s23, $0x3F0;
	s22 =	sand.u32 $0x70, s22;
	s24 =	sadd.s32 s24, s7;
	v12 =	vadd.s32 v12, v13  }
0x9c: {  	s24 =	sadd.s32 s22, s24;
	[tilespmem:s21+$0x0] =	vst v14;
	s22 =	smov.u32 s23  }
0x9d: {  	v13 =	vld [tilespmem:s24+$0x0];
	_ =	sdelay $0x4  }
0x9e: {  	vm1 =	vlt.s32 v13, $0x1  }
0x9f: {  	v14 =	vnsel vm1, $0x1, v13  }
0xa0: {  	v13 =	vperm.xlane v14, v0;
	_ =	sdelay $0x1  }
0xa1: {  	v13 =	vand.u32 v1, v13  }
0xa2: {  	v13 =	vadd.s32 v14, v13  }
0xa3: {  	v15 =	vperm.xlane v13, v2;
	_ =	sdelay $0x1  }
0xa4: {  	v15 =	vand.u32 v3, v15  }
0xa5: {  	v13 =	vadd.s32 v15, v13  }
0xa6: {  	v15 =	vperm.xlane v13, v5;
	_ =	sdelay $0x1  }
0xa7: {  	v15 =	vand.u32 v4, v15  }
0xa8: {  	v13 =	vadd.s32 v15, v13  }
0xa9: {  	v15 =	vperm.xlane v13, v6  }
.Ltmp5:
0xaa: {  	(pc) =	sbr.rel @p1 .LBB2_6-.Ltmp5, $4  }
0xab: {  	v15 =	vand.u32 v7, v15  }
0xac: {  	v13 =	vadd.s32 v15, v13  }
0xad: {  	v15 =	vadd.s32 v12, v13;
	v13 =	vperm.xlane v13, v8  }
0xae: {  	s23 =	sadd.s32 $0x10, s23;
	s21 =	sadd.s32 $0x10, s21;
	s24 =	sand.u32 $0x380, s22;
	v14 =	vmul.u32 v14, v15  }
0xaf: {  	s22 =	sand.u32 $0x70, s22;
	s23 =	sadd.s32 s24, s7  }
0xb0: {  	s22 =	sadd.s32 s22, s23;
	[tilespmem:s21+$0x0] =	vst v14  }
0xb1: {  	v14 =	vld [tilespmem:s22+$0x0];
	_ =	sdelay $0x4  }
0xb2: {  	vm1 =	vlt.s32 v14, $0x1  }
0xb3: {  	v14 =	vnsel vm1, $0x1, v14  }
0xb4: {  	v15 =	vperm.xlane v14, v0;
	_ =	sdelay $0x1  }
0xb5: {  	v15 =	vand.u32 v1, v15  }
0xb6: {  	v15 =	vadd.s32 v14, v15  }
0xb7: {  	v16 =	vperm.xlane v15, v2;
	_ =	sdelay $0x1  }
0xb8: {  	v16 =	vand.u32 v3, v16  }
0xb9: {  	v15 =	vadd.s32 v16, v15  }
0xba: {  	v16 =	vperm.xlane v15, v5;
	_ =	sdelay $0x1  }
0xbb: {  	v16 =	vand.u32 v4, v16  }
0xbc: {  	v15 =	vadd.s32 v16, v15  }
0xbd: {  	v16 =	vperm.xlane v15, v6;
	_ =	sdelay $0x1  }
0xbe: {  	v16 =	vand.u32 v7, v16  }
0xbf: {  	v12 =	vadd.s32 v12, v13;
	v57 =	vadd.s32 v16, v15  }
0xc0: {  	v12 =	vadd.s32 v12, v57  }
0xc1: {  	v12 =	vmul.u32 v14, v12  }
0xc2: {  	s22 =	sadd.s32 $0x10, s21  }
0xc3: {  	s23 =	simm.s32 $0x1;
	[tilespmem:s22+$0x0] =	vst v12  }
0xc4: {  	_ =	swait.ge [sflag:s23], $0x8000  }
0xc5: {  	[sflag:s23] =	ssyncset.done $0x0  }
0xc6: {  	s25 =	simm.s32 $0x2400;
	s24 =	rddreg [dreg:$0x6];
	[sflag:s23] =	ssyncadd.s32 $0xFFFF8000  }
0xc7: {  	[hbm4b:s24+s3] =	stream.linear.scatter [tilespmem:s25], [sflag:$0x4], $0x8000, $0x38;
	[tilespmem:$0x1A400] =	vst v63  }
0xc8: {  	v58 =	vld [tilespmem:$0x2020];
	_ =	sdelay $0x4  }
0xc9: {  	v59 =	vshll.u32 v58, $0x3  }
0xca: {  	v12 =	vand.u32 $0x7, v58;
	v13 =	vand.u32 $0xFFFFFFC0, v59  }
0xcb: {  	v12 =	vor.u32 v12, v13  }
0xcc: {  	v13 =	vperm.xlane v12, v9;
	_ =	sdelay $0x1  }
0xcd: {  	v13 =	vadd.s32 v10, v13;
	_ =	sdelay $0x4  }
0xce: {  	[tilespmem:s5], [sflag:$0x2] =	stream.indirect_vreg.gather [hbm4b:s2+s3], $0x80, v13, vm0, $0xb8;
	[tilespmem:$0x1A400] =	vst v63  }
0xcf: {  	s26 =	simm.s32 $0xAC00;
	v12 =	vperm.xlane v12, v11  }
0xd0: {  	[tilespmem:s26], [sflag:$0x2] =	stream.indirect_vreg.gather [hbm4b:s8+s3], $0x80, v13, vm0, $0xb8;
	[tilespmem:$0x1A400] =	vst v63  }
0xd1: {  	s28 =	simm.s32 $0xB400;
	v12 =	vadd.s32 v10, v12  }
0xd2: {  	[tilespmem:s28], [sflag:$0x2] =	stream.indirect_vreg.gather [hbm4b:s9+s3], $0x80, v13, vm0, $0xb8;
	[tilespmem:$0x1A400] =	vst v63  }
0xd3: {  	s22 =	simm.s32 $0xBC00  }
0xd4: {  	[tilespmem:s22], [sflag:$0x2] =	stream.indirect_vreg.gather [hbm4b:s10+s3], $0x80, v13, vm0, $0xb8;
	[tilespmem:$0x1A400] =	vst v63  }
0xd5: {  	s23 =	simm.s32 $0xC400  }
0xd6: {  	[tilespmem:s23], [sflag:$0x2] =	stream.indirect_vreg.gather [hbm4b:s2+s3], $0x80, v12, vm0, $0xb8;
	[tilespmem:$0x1A400] =	vst v63  }
0xd7: {  	s24 =	simm.s32 $0xCC00  }
0xd8: {  	[tilespmem:s24], [sflag:$0x2] =	stream.indirect_vreg.gather [hbm4b:s8+s3], $0x80, v12, vm0, $0xb8;
	[tilespmem:$0x1A400] =	vst v63  }
0xd9: {  	s25 =	simm.s32 $0xD400  }
0xda: {  	[tilespmem:s25], [sflag:$0x2] =	stream.indirect_vreg.gather [hbm4b:s9+s3], $0x80, v12, vm0, $0xb8;
	[tilespmem:$0x1A400] =	vst v63  }
0xdb: {  	s26 =	simm.s32 $0xDC00  }
0xdc: {  	[tilespmem:s26], [sflag:$0x2] =	stream.indirect_vreg.gather [hbm4b:s10+s3], $0x80, v12, vm0, $0xb8;
	[tilespmem:$0x1A400] =	vst v63  }
0xdd: {  	v12 =	vld [tilespmem:$0x2030];
	_ =	sdelay $0x4  }
0xde: {  	v60 =	vshll.u32 v12, $0x3  }
0xdf: {  	v12 =	vand.u32 $0x7, v12;
	v13 =	vand.u32 $0xFFFFFFC0, v60  }
0xe0: {  	v12 =	vor.u32 v12, v13  }
0xe1: {  	v13 =	vperm.xlane v12, v9;
	_ =	sdelay $0x1  }
0xe2: {  	v13 =	vadd.s32 v10, v13;
	_ =	sdelay $0x3  }
0xe3: {  	s28 =	simm.s32 $0xE400  }
0xe4: {  	[tilespmem:s28], [sflag:$0x2] =	stream.indirect_vreg.gather [hbm4b:s2+s3], $0x80, v13, vm0, $0xb8;
	[tilespmem:$0x1A400] =	vst v63  }
0xe5: {  	s22 =	simm.s32 $0xEC00;
	v12 =	vperm.xlane v12, v11  }
0xe6: {  	[tilespmem:s22], [sflag:$0x2] =	stream.indirect_vreg.gather [hbm4b:s8+s3], $0x80, v13, vm0, $0xb8;
	[tilespmem:$0x1A400] =	vst v63  }
0xe7: {  	s23 =	simm.s32 $0xF400;
	v12 =	vadd.s32 v10, v12  }
0xe8: {  	[tilespmem:s23], [sflag:$0x2] =	stream.indirect_vreg.gather [hbm4b:s9+s3], $0x80, v13, vm0, $0xb8;
	[tilespmem:$0x1A400] =	vst v63  }
0xe9: {  	s24 =	simm.s32 $0xFC00  }
0xea: {  	[tilespmem:s24], [sflag:$0x2] =	stream.indirect_vreg.gather [hbm4b:s10+s3], $0x80, v13, vm0, $0xb8;
	[tilespmem:$0x1A400] =	vst v63  }
0xeb: {  	s25 =	simm.s32 $0x10400  }
0xec: {  	[tilespmem:s25], [sflag:$0x2] =	stream.indirect_vreg.gather [hbm4b:s2+s3], $0x80, v12, vm0, $0xb8;
	[tilespmem:$0x1A400] =	vst v63  }
0xed: {  	s26 =	simm.s32 $0x10C00  }
0xee: {  	[tilespmem:s26], [sflag:$0x2] =	stream.indirect_vreg.gather [hbm4b:s8+s3], $0x80, v12, vm0, $0xb8;
	[tilespmem:$0x1A400] =	vst v63  }
0xef: {  	s28 =	simm.s32 $0x11400  }
0xf0: {  	[tilespmem:s28], [sflag:$0x2] =	stream.indirect_vreg.gather [hbm4b:s9+s3], $0x80, v12, vm0, $0xb8;
	[tilespmem:$0x1A400] =	vst v63  }
0xf1: {  	s22 =	simm.s32 $0x11C00;
	s23 =	simm.s32 $0x2  }
0xf2: {  	[tilespmem:s22], [sflag:$0x2] =	stream.indirect_vreg.gather [hbm4b:s10+s3], $0x80, v12, vm0, $0xb8;
	[tilespmem:$0x1A400] =	vst v63  }
0xf3: {  	_ =	swait.ge [sflag:s23], $0x8000  }
0xf4: {  	[sflag:s23] =	ssyncset.done $0x0  }
0xf5: {  	s24 =	rddreg [dreg:$0x7];
	[sflag:s23] =	ssyncadd.s32 $0xFFFF8000  }
0xf6: {  	[hbm4b:s24+s3] =	stream.linear.scatter [tilespmem:s5], [sflag:$0x5], $0x8000, $0x38;
	[tilespmem:$0x1A400] =	vst v63  }
0xf7: {  	v61 =	vld [tilespmem:$0x2040];
	_ =	sdelay $0x4  }
0xf8: {  	v62 =	vshll.u32 v61, $0x3  }
0xf9: {  	v12 =	vand.u32 $0x7, v61;
	v13 =	vand.u32 $0xFFFFFFC0, v62  }
0xfa: {  	v12 =	vor.u32 v12, v13  }
0xfb: {  	v13 =	vperm.xlane v12, v9;
	_ =	sdelay $0x1  }
0xfc: {  	v13 =	vadd.s32 v10, v13;
	_ =	sdelay $0x3  }
0xfd: {  	s25 =	simm.s32 $0x12400  }
0xfe: {  	[tilespmem:s25], [sflag:$0x3] =	stream.indirect_vreg.gather [hbm4b:s2+s3], $0x80, v13, vm0, $0xb8;
	[tilespmem:$0x1A400] =	vst v63  }
0xff: {  	s26 =	simm.s32 $0x12C00;
	v12 =	vperm.xlane v12, v11  }
0x100: {  	[tilespmem:s26], [sflag:$0x3] =	stream.indirect_vreg.gather [hbm4b:s8+s3], $0x80, v13, vm0, $0xb8;
	[tilespmem:$0x1A400] =	vst v63  }
0x101: {  	s28 =	simm.s32 $0x13400;
	v12 =	vadd.s32 v10, v12  }
0x102: {  	[tilespmem:s28], [sflag:$0x3] =	stream.indirect_vreg.gather [hbm4b:s9+s3], $0x80, v13, vm0, $0xb8;
	[tilespmem:$0x1A400] =	vst v63  }
0x103: {  	_ = 	snop  }
0x104: {  	[tilespmem:s29], [sflag:$0x3] =	stream.indirect_vreg.gather [hbm4b:s10+s3], $0x80, v13, vm0, $0xb8;
	[tilespmem:$0x1A400] =	vst v63  }
0x105: {  	_ = 	snop  }
0x106: {  	[tilespmem:s30], [sflag:$0x3] =	stream.indirect_vreg.gather [hbm4b:s2+s3], $0x80, v12, vm0, $0xb8;
	[tilespmem:$0x1A400] =	vst v63  }
0x107: {  	_ = 	snop  }
0x108: {  	[tilespmem:s31], [sflag:$0x3] =	stream.indirect_vreg.gather [hbm4b:s8+s3], $0x80, v12, vm0, $0xb8;
	[tilespmem:$0x1A400] =	vst v63  }
0x109: {  	_ = 	snop  }
0x10a: {  	[tilespmem:s1], [sflag:$0x3] =	stream.indirect_vreg.gather [hbm4b:s9+s3], $0x80, v12, vm0, $0xb8;
	[tilespmem:$0x1A400] =	vst v63  }
0x10b: {  	_ = 	snop  }
0x10c: {  	[tilespmem:s0], [sflag:$0x3] =	stream.indirect_vreg.gather [hbm4b:s10+s3], $0x80, v12, vm0, $0xb8;
	[tilespmem:$0x1A400] =	vst v63  }
0x10d: {  	v12 =	vld [tilespmem:$0x2050];
	_ =	sdelay $0x4  }
0x10e: {  	v63 =	vshll.u32 v12, $0x3  }
0x10f: {  	v12 =	vand.u32 $0x7, v12;
	v13 =	vand.u32 $0xFFFFFFC0, v63  }
0x110: {  	v12 =	vor.u32 v12, v13  }
0x111: {  	v13 =	vperm.xlane v12, v9;
	_ =	sdelay $0x1  }
0x112: {  	v13 =	vadd.s32 v10, v13;
	_ =	sdelay $0x4  }
0x113: {  	[tilespmem:s12], [sflag:$0x3] =	stream.indirect_vreg.gather [hbm4b:s2+s3], $0x80, v13, vm0, $0xb8;
	[tilespmem:$0x1A400] =	vst v63  }
0x114: {  	v12 =	vperm.xlane v12, v11  }
0x115: {  	[tilespmem:s13], [sflag:$0x3] =	stream.indirect_vreg.gather [hbm4b:s8+s3], $0x80, v13, vm0, $0xb8;
	[tilespmem:$0x1A400] =	vst v63  }
0x116: {  	v12 =	vadd.s32 v10, v12  }
0x117: {  	[tilespmem:s14], [sflag:$0x3] =	stream.indirect_vreg.gather [hbm4b:s9+s3], $0x80, v13, vm0, $0xb8;
	[tilespmem:$0x1A400] =	vst v63  }
0x118: {  	_ = 	snop  }
0x119: {  	[tilespmem:s15], [sflag:$0x3] =	stream.indirect_vreg.gather [hbm4b:s10+s3], $0x80, v13, vm0, $0xb8;
	[tilespmem:$0x1A400] =	vst v63  }
0x11a: {  	_ = 	snop  }
0x11b: {  	[tilespmem:s11], [sflag:$0x3] =	stream.indirect_vreg.gather [hbm4b:s2+s3], $0x80, v12, vm0, $0xb8;
	[tilespmem:$0x1A400] =	vst v63  }
0x11c: {  	_ = 	snop  }
0x11d: {  	[tilespmem:s6], [sflag:$0x3] =	stream.indirect_vreg.gather [hbm4b:s8+s3], $0x80, v12, vm0, $0xb8;
	[tilespmem:$0x1A400] =	vst v63  }
.Ltmp6:
0x11e: {  	_ = 	snop;
	(pc) =	sbr.rel .LBB2_8-.Ltmp6, $4  }
0x11f: {  	_ = 	snop  }
0x120: {  	[tilespmem:s4], [sflag:$0x3] =	stream.indirect_vreg.gather [hbm4b:s9+s3], $0x80, v12, vm0, $0xb8;
	[tilespmem:$0x1A400] =	vst v63  }
0x121: {  	s21 =	simm.s32 $0x3;
	s22 =	simm.s32 $0x2070;
	s23 =	rddreg [dreg:$0xa]  }
0x122: {  	[tilespmem:s16], [sflag:$0x3] =	stream.indirect_vreg.gather [hbm4b:s10+s3], $0x80, v12, vm0, $0xb8;
	[tilespmem:$0x1A400] =	vst v63  }
.LBB2_11:
0x123: {  	_ =	swait.ge [sflag:s18], $0x1000  }
0x124: {  	[sflag:s18] =	ssyncset.done $0x0  }
0x125: {  	[sflag:s18] =	ssyncadd.s32 $0xFFFFF000  }
0x126: {  	v12 =	vld [tilespmem:s22+$0xFFFFFFF0];
	_ =	sdelay $0x4  }
0x127: {  	v13 =	vshll.u32 v12, $0x3  }
0x128: {  	v12 =	vand.u32 $0x7, v12;
	v13 =	vand.u32 $0xFFFFFFC0, v13  }
0x129: {  	v12 =	vor.u32 v12, v13  }
0x12a: {  	v13 =	vperm.xlane v12, v9;
	_ =	sdelay $0x1  }
0x12b: {  	v13 =	vadd.s32 v10, v13;
	_ =	sdelay $0x3  }
0x12c: {  	s24 =	simm.s32 $0x2400  }
0x12d: {  	[tilespmem:s24], [sflag:$0x1] =	stream.indirect_vreg.gather [hbm4b:s2+s3], $0x80, v13, vm0, $0xb8;
	[tilespmem:$0x1A400] =	vst v63  }
0x12e: {  	s25 =	simm.s32 $0x2C00;
	v12 =	vperm.xlane v12, v11  }
0x12f: {  	[tilespmem:s25], [sflag:$0x1] =	stream.indirect_vreg.gather [hbm4b:s8+s3], $0x80, v13, vm0, $0xb8;
	[tilespmem:$0x1A400] =	vst v63  }
0x130: {  	s26 =	simm.s32 $0x3400;
	v12 =	vadd.s32 v10, v12  }
0x131: {  	[tilespmem:s26], [sflag:$0x1] =	stream.indirect_vreg.gather [hbm4b:s9+s3], $0x80, v13, vm0, $0xb8;
	[tilespmem:$0x1A400] =	vst v63  }
0x132: {  	s28 =	simm.s32 $0x3C00  }
0x133: {  	[tilespmem:s28], [sflag:$0x1] =	stream.indirect_vreg.gather [hbm4b:s10+s3], $0x80, v13, vm0, $0xb8;
	[tilespmem:$0x1A400] =	vst v63  }
0x134: {  	s25 =	simm.s32 $0x4400  }
0x135: {  	[tilespmem:s25], [sflag:$0x1] =	stream.indirect_vreg.gather [hbm4b:s2+s3], $0x80, v12, vm0, $0xb8;
	[tilespmem:$0x1A400] =	vst v63  }
0x136: {  	s26 =	simm.s32 $0x4C00  }
0x137: {  	[tilespmem:s26], [sflag:$0x1] =	stream.indirect_vreg.gather [hbm4b:s8+s3], $0x80, v12, vm0, $0xb8;
	[tilespmem:$0x1A400] =	vst v63  }
0x138: {  	s28 =	simm.s32 $0x5400  }
0x139: {  	[tilespmem:s28], [sflag:$0x1] =	stream.indirect_vreg.gather [hbm4b:s9+s3], $0x80, v12, vm0, $0xb8;
	[tilespmem:$0x1A400] =	vst v63  }
0x13a: {  	s25 =	simm.s32 $0x5C00  }
0x13b: {  	[tilespmem:s25], [sflag:$0x1] =	stream.indirect_vreg.gather [hbm4b:s10+s3], $0x80, v12, vm0, $0xb8;
	[tilespmem:$0x1A400] =	vst v63  }
0x13c: {  	v12 =	vld [tilespmem:s22+$0x0];
	_ =	sdelay $0x4  }
0x13d: {  	v63 =	vshll.u32 v12, $0x3  }
0x13e: {  	v12 =	vand.u32 $0x7, v12;
	v13 =	vand.u32 $0xFFFFFFC0, v63  }
0x13f: {  	v12 =	vor.u32 v12, v13  }
0x140: {  	v13 =	vperm.xlane v12, v9;
	_ =	sdelay $0x1  }
0x141: {  	v13 =	vadd.s32 v10, v13;
	_ =	sdelay $0x3  }
0x142: {  	s26 =	simm.s32 $0x6400  }
0x143: {  	[tilespmem:s26], [sflag:$0x1] =	stream.indirect_vreg.gather [hbm4b:s2+s3], $0x80, v13, vm0, $0xb8;
	[tilespmem:$0x1A400] =	vst v63  }
0x144: {  	s28 =	simm.s32 $0x6C00;
	v12 =	vperm.xlane v12, v11  }
0x145: {  	[tilespmem:s28], [sflag:$0x1] =	stream.indirect_vreg.gather [hbm4b:s8+s3], $0x80, v13, vm0, $0xb8;
	[tilespmem:$0x1A400] =	vst v63  }
0x146: {  	s25 =	simm.s32 $0x7400;
	v12 =	vadd.s32 v10, v12  }
0x147: {  	[tilespmem:s25], [sflag:$0x1] =	stream.indirect_vreg.gather [hbm4b:s9+s3], $0x80, v13, vm0, $0xb8;
	[tilespmem:$0x1A400] =	vst v63  }
0x148: {  	s26 =	simm.s32 $0x7C00  }
0x149: {  	[tilespmem:s26], [sflag:$0x1] =	stream.indirect_vreg.gather [hbm4b:s10+s3], $0x80, v13, vm0, $0xb8;
	[tilespmem:$0x1A400] =	vst v63  }
0x14a: {  	s28 =	simm.s32 $0x8400  }
0x14b: {  	[tilespmem:s28], [sflag:$0x1] =	stream.indirect_vreg.gather [hbm4b:s2+s3], $0x80, v12, vm0, $0xb8;
	[tilespmem:$0x1A400] =	vst v63  }
0x14c: {  	s25 =	simm.s32 $0x8C00  }
0x14d: {  	[tilespmem:s25], [sflag:$0x1] =	stream.indirect_vreg.gather [hbm4b:s8+s3], $0x80, v12, vm0, $0xb8;
	[tilespmem:$0x1A400] =	vst v63  }
0x14e: {  	s26 =	simm.s32 $0x9400  }
0x14f: {  	[tilespmem:s26], [sflag:$0x1] =	stream.indirect_vreg.gather [hbm4b:s9+s3], $0x80, v12, vm0, $0xb8;
	[tilespmem:$0x1A400] =	vst v63  }
0x150: {  	s28 =	simm.s32 $0x9C00  }
0x151: {  	[tilespmem:s28], [sflag:$0x1] =	stream.indirect_vreg.gather [hbm4b:s10+s3], $0x80, v12, vm0, $0xb8;
	[tilespmem:$0x1A400] =	vst v63  }
.LBB2_13:
0x152: {  	s21 =	sadd.s32 $0x1, s21  }
0x153: {  	p1 =	sne.s32 s21, $0x20  }
.Ltmp7:
0x154: {  	_ = 	snop;
	(pc) =	sbr.rel @!p1 .LBB2_14-.Ltmp7, $2  }
0x155: {  	_ =	sdelay $0x2  }
0x156: {  	s23 =	sadd.s32 $0x1000, s23;
	s22 =	sadd.s32 $0x20, s22  }
.LBB2_8:
0x157: {  	s24 =	smul.u32 $0xAB, s21;
	_ =	sdelay $0x1  }
0x158: {  	s25 =	sadd.s32 $0xFFFFFF55, s24  }
0x159: {  	s25 =	sshrl.u32 s25, $0x9  }
0x15a: {  	s25 =	sand.u32 $0x7F, s25  }
0x15b: {  	s25 =	smul.u32 $0x3, s25;
	_ =	sdelay $0x1  }
0x15c: {  	s25 =	sxor.u32 $0xFFFFFFFF, s25  }
0x15d: {  	s25 =	sadd.s32 s21, s25  }
0x15e: {  	s25 =	sand.u32 $0xFF, s25  }
0x15f: {  	p1 =	seq.s32 s25, $0x0  }
0x160: {  	s26 =	simm.s32 @p1 $0x1  }
0x161: {  	s24 =	sshrl.u32 s24, $0x9;
	p2 =	sne.s32 @!p1 s25, $0x1;
	_ =	swait.ge @p1 [sflag:s26], $0x8000  }
0x162: {  	s28 =	simm.s32 @p1 $0x2400;
	p3 =	por !p2, p1;
	[sflag:s26] =	ssyncset.done @p1 $0x0  }
0x163: {  	s25 =	simm.s32 @!p3 $0x3;
	[sflag:s26] =	ssyncadd.s32 @p1 $0xFFFF8000;
	s26 =	simm.s32 @p1 $0x0  }
0x164: {  	[hbm4b:s23+s26] =	stream.linear.scatter @p1 [tilespmem:s28], [sflag:$0x4], $0x8000, $0x38;
	[tilespmem:$0x1A400] =	vst v63  }
0x165: {  	s24 =	sand.u32 $0x7F, s24;
	_ =	swait.ge @!p3 [sflag:s25], $0x8000  }
0x166: {  	s24 =	smul.u32 $0x3, s24;
	s26 =	simm.s32 @!p3 $0x12400;
	[sflag:s25] =	ssyncset.done @!p3 $0x0  }
0x167: {  	p1 =	por p2, p1;
	[sflag:s25] =	ssyncadd.s32 @!p3 $0xFFFF8000;
	s25 =	simm.s32 @!p3 $0x0  }
0x168: {  	[hbm4b:s23+s25] =	stream.linear.scatter @!p3 [tilespmem:s26], [sflag:$0x6], $0x8000, $0x38;
	[tilespmem:$0x1A400] =	vst v63  }
0x169: {  	s25 =	simm.s32 @!p1 $0x2  }
0x16a: {  	s24 =	ssub.s32 s21, s24;
	_ =	swait.ge @!p1 [sflag:s25], $0x8000  }
0x16b: {  	s24 =	sand.u32 $0xFF, s24;
	[sflag:s25] =	ssyncset.done @!p1 $0x0  }
0x16c: {  	s26 =	simm.s32 @!p1 $0xA400;
	[sflag:s25] =	ssyncadd.s32 @!p1 $0xFFFF8000;
	s25 =	simm.s32 @!p1 $0x0  }
0x16d: {  	[hbm4b:s23+s25] =	stream.linear.scatter @!p1 [tilespmem:s26], [sflag:$0x5], $0x8000, $0x38;
	[tilespmem:$0x1A400] =	vst v63  }
0x16e: {  	p1 =	seq.s32 s24, $0x0  }
.Ltmp8:
0x16f: {  	_ = 	snop;
	(pc) =	sbr.rel @p1 .LBB2_11-.Ltmp8, $1  }
0x170: {  	_ =	sdelay $0x3  }
0x171: {  	p1 =	sne.s32 s24, $0x1  }
.Ltmp9:
0x172: {  	_ = 	snop;
	(pc) =	sbr.rel @p1 .LBB2_12-.Ltmp9, $1  }
0x173: {  	_ =	sdelay $0x3  }
0x174: {  	_ =	swait.ge [sflag:s19], $0x1000  }
0x175: {  	[sflag:s19] =	ssyncset.done $0x0  }
0x176: {  	[sflag:s19] =	ssyncadd.s32 $0xFFFFF000  }
0x177: {  	v12 =	vld [tilespmem:s22+$0xFFFFFFF0];
	_ =	sdelay $0x4  }
0x178: {  	v13 =	vshll.u32 v12, $0x3  }
0x179: {  	v12 =	vand.u32 $0x7, v12;
	v13 =	vand.u32 $0xFFFFFFC0, v13  }
0x17a: {  	v12 =	vor.u32 v12, v13  }
0x17b: {  	v13 =	vperm.xlane v12, v9;
	_ =	sdelay $0x1  }
0x17c: {  	v13 =	vadd.s32 v10, v13;
	_ =	sdelay $0x4  }
0x17d: {  	[tilespmem:s5], [sflag:$0x2] =	stream.indirect_vreg.gather [hbm4b:s2+s3], $0x80, v13, vm0, $0xb8;
	[tilespmem:$0x1A400] =	vst v63  }
0x17e: {  	s24 =	simm.s32 $0xAC00;
	v12 =	vperm.xlane v12, v11  }
0x17f: {  	[tilespmem:s24], [sflag:$0x2] =	stream.indirect_vreg.gather [hbm4b:s8+s3], $0x80, v13, vm0, $0xb8;
	[tilespmem:$0x1A400] =	vst v63  }
0x180: {  	s26 =	simm.s32 $0xB400;
	v12 =	vadd.s32 v10, v12  }
0x181: {  	[tilespmem:s26], [sflag:$0x2] =	stream.indirect_vreg.gather [hbm4b:s9+s3], $0x80, v13, vm0, $0xb8;
	[tilespmem:$0x1A400] =	vst v63  }
0x182: {  	s28 =	simm.s32 $0xBC00  }
0x183: {  	[tilespmem:s28], [sflag:$0x2] =	stream.indirect_vreg.gather [hbm4b:s10+s3], $0x80, v13, vm0, $0xb8;
	[tilespmem:$0x1A400] =	vst v63  }
0x184: {  	s25 =	simm.s32 $0xC400  }
0x185: {  	[tilespmem:s25], [sflag:$0x2] =	stream.indirect_vreg.gather [hbm4b:s2+s3], $0x80, v12, vm0, $0xb8;
	[tilespmem:$0x1A400] =	vst v63  }
0x186: {  	s26 =	simm.s32 $0xCC00  }
0x187: {  	[tilespmem:s26], [sflag:$0x2] =	stream.indirect_vreg.gather [hbm4b:s8+s3], $0x80, v12, vm0, $0xb8;
	[tilespmem:$0x1A400] =	vst v63  }
0x188: {  	s28 =	simm.s32 $0xD400  }
0x189: {  	[tilespmem:s28], [sflag:$0x2] =	stream.indirect_vreg.gather [hbm4b:s9+s3], $0x80, v12, vm0, $0xb8;
	[tilespmem:$0x1A400] =	vst v63  }
0x18a: {  	s25 =	simm.s32 $0xDC00  }
0x18b: {  	[tilespmem:s25], [sflag:$0x2] =	stream.indirect_vreg.gather [hbm4b:s10+s3], $0x80, v12, vm0, $0xb8;
	[tilespmem:$0x1A400] =	vst v63  }
0x18c: {  	v12 =	vld [tilespmem:s22+$0x0];
	_ =	sdelay $0x4  }
0x18d: {  	v63 =	vshll.u32 v12, $0x3  }
0x18e: {  	v12 =	vand.u32 $0x7, v12;
	v13 =	vand.u32 $0xFFFFFFC0, v63  }
0x18f: {  	v12 =	vor.u32 v12, v13  }
0x190: {  	v13 =	vperm.xlane v12, v9;
	_ =	sdelay $0x1  }
0x191: {  	v13 =	vadd.s32 v10, v13;
	_ =	sdelay $0x3  }
0x192: {  	s26 =	simm.s32 $0xE400  }
0x193: {  	[tilespmem:s26], [sflag:$0x2] =	stream.indirect_vreg.gather [hbm4b:s2+s3], $0x80, v13, vm0, $0xb8;
	[tilespmem:$0x1A400] =	vst v63  }
0x194: {  	s28 =	simm.s32 $0xEC00;
	v12 =	vperm.xlane v12, v11  }
0x195: {  	[tilespmem:s28], [sflag:$0x2] =	stream.indirect_vreg.gather [hbm4b:s8+s3], $0x80, v13, vm0, $0xb8;
	[tilespmem:$0x1A400] =	vst v63  }
0x196: {  	s25 =	simm.s32 $0xF400;
	v12 =	vadd.s32 v10, v12  }
0x197: {  	[tilespmem:s25], [sflag:$0x2] =	stream.indirect_vreg.gather [hbm4b:s9+s3], $0x80, v13, vm0, $0xb8;
	[tilespmem:$0x1A400] =	vst v63  }
0x198: {  	s26 =	simm.s32 $0xFC00  }
0x199: {  	[tilespmem:s26], [sflag:$0x2] =	stream.indirect_vreg.gather [hbm4b:s10+s3], $0x80, v13, vm0, $0xb8;
	[tilespmem:$0x1A400] =	vst v63  }
0x19a: {  	s28 =	simm.s32 $0x10400  }
0x19b: {  	[tilespmem:s28], [sflag:$0x2] =	stream.indirect_vreg.gather [hbm4b:s2+s3], $0x80, v12, vm0, $0xb8;
	[tilespmem:$0x1A400] =	vst v63  }
0x19c: {  	s25 =	simm.s32 $0x10C00  }
0x19d: {  	[tilespmem:s25], [sflag:$0x2] =	stream.indirect_vreg.gather [hbm4b:s8+s3], $0x80, v12, vm0, $0xb8;
	[tilespmem:$0x1A400] =	vst v63  }
.Ltmp10:
0x19e: {  	_ = 	snop;
	(pc) =	sbr.rel .LBB2_13-.Ltmp10, $4  }
0x19f: {  	s26 =	simm.s32 $0x11400  }
0x1a0: {  	[tilespmem:s26], [sflag:$0x2] =	stream.indirect_vreg.gather [hbm4b:s9+s3], $0x80, v12, vm0, $0xb8;
	[tilespmem:$0x1A400] =	vst v63  }
0x1a1: {  	s28 =	simm.s32 $0x11C00  }
0x1a2: {  	[tilespmem:s28], [sflag:$0x2] =	stream.indirect_vreg.gather [hbm4b:s10+s3], $0x80, v12, vm0, $0xb8;
	[tilespmem:$0x1A400] =	vst v63  }
.LBB2_12:
0x1a3: {  	_ =	swait.ge [sflag:s20], $0x1000  }
0x1a4: {  	[sflag:s20] =	ssyncset.done $0x0  }
0x1a5: {  	[sflag:s20] =	ssyncadd.s32 $0xFFFFF000  }
0x1a6: {  	v12 =	vld [tilespmem:s22+$0xFFFFFFF0];
	_ =	sdelay $0x4  }
0x1a7: {  	v13 =	vshll.u32 v12, $0x3  }
0x1a8: {  	v12 =	vand.u32 $0x7, v12;
	v13 =	vand.u32 $0xFFFFFFC0, v13  }
0x1a9: {  	v12 =	vor.u32 v12, v13  }
0x1aa: {  	v13 =	vperm.xlane v12, v9;
	_ =	sdelay $0x1  }
0x1ab: {  	v13 =	vadd.s32 v10, v13;
	_ =	sdelay $0x3  }
0x1ac: {  	s24 =	simm.s32 $0x12400  }
0x1ad: {  	[tilespmem:s24], [sflag:$0x3] =	stream.indirect_vreg.gather [hbm4b:s2+s3], $0x80, v13, vm0, $0xb8;
	[tilespmem:$0x1A400] =	vst v63  }
0x1ae: {  	s26 =	simm.s32 $0x12C00;
	v12 =	vperm.xlane v12, v11  }
0x1af: {  	[tilespmem:s26], [sflag:$0x3] =	stream.indirect_vreg.gather [hbm4b:s8+s3], $0x80, v13, vm0, $0xb8;
	[tilespmem:$0x1A400] =	vst v63  }
0x1b0: {  	s28 =	simm.s32 $0x13400;
	v12 =	vadd.s32 v10, v12  }
0x1b1: {  	[tilespmem:s28], [sflag:$0x3] =	stream.indirect_vreg.gather [hbm4b:s9+s3], $0x80, v13, vm0, $0xb8;
	[tilespmem:$0x1A400] =	vst v63  }
0x1b2: {  	_ = 	snop  }
0x1b3: {  	[tilespmem:s29], [sflag:$0x3] =	stream.indirect_vreg.gather [hbm4b:s10+s3], $0x80, v13, vm0, $0xb8;
	[tilespmem:$0x1A400] =	vst v63  }
0x1b4: {  	_ = 	snop  }
0x1b5: {  	[tilespmem:s30], [sflag:$0x3] =	stream.indirect_vreg.gather [hbm4b:s2+s3], $0x80, v12, vm0, $0xb8;
	[tilespmem:$0x1A400] =	vst v63  }
0x1b6: {  	_ = 	snop  }
0x1b7: {  	[tilespmem:s31], [sflag:$0x3] =	stream.indirect_vreg.gather [hbm4b:s8+s3], $0x80, v12, vm0, $0xb8;
	[tilespmem:$0x1A400] =	vst v63  }
0x1b8: {  	_ = 	snop  }
0x1b9: {  	[tilespmem:s1], [sflag:$0x3] =	stream.indirect_vreg.gather [hbm4b:s9+s3], $0x80, v12, vm0, $0xb8;
	[tilespmem:$0x1A400] =	vst v63  }
0x1ba: {  	_ = 	snop  }
0x1bb: {  	[tilespmem:s0], [sflag:$0x3] =	stream.indirect_vreg.gather [hbm4b:s10+s3], $0x80, v12, vm0, $0xb8;
	[tilespmem:$0x1A400] =	vst v63  }
0x1bc: {  	v12 =	vld [tilespmem:s22+$0x0];
	_ =	sdelay $0x4  }
0x1bd: {  	v63 =	vshll.u32 v12, $0x3  }
0x1be: {  	v12 =	vand.u32 $0x7, v12;
	v13 =	vand.u32 $0xFFFFFFC0, v63  }
0x1bf: {  	v12 =	vor.u32 v12, v13  }
0x1c0: {  	v13 =	vperm.xlane v12, v9;
	_ =	sdelay $0x1  }
0x1c1: {  	v13 =	vadd.s32 v10, v13;
	_ =	sdelay $0x4  }
0x1c2: {  	[tilespmem:s12], [sflag:$0x3] =	stream.indirect_vreg.gather [hbm4b:s2+s3], $0x80, v13, vm0, $0xb8;
	[tilespmem:$0x1A400] =	vst v63  }
0x1c3: {  	v12 =	vperm.xlane v12, v11  }
0x1c4: {  	[tilespmem:s13], [sflag:$0x3] =	stream.indirect_vreg.gather [hbm4b:s8+s3], $0x80, v13, vm0, $0xb8;
	[tilespmem:$0x1A400] =	vst v63  }
0x1c5: {  	v12 =	vadd.s32 v10, v12  }
0x1c6: {  	[tilespmem:s14], [sflag:$0x3] =	stream.indirect_vreg.gather [hbm4b:s9+s3], $0x80, v13, vm0, $0xb8;
	[tilespmem:$0x1A400] =	vst v63  }
0x1c7: {  	_ = 	snop  }
0x1c8: {  	[tilespmem:s15], [sflag:$0x3] =	stream.indirect_vreg.gather [hbm4b:s10+s3], $0x80, v13, vm0, $0xb8;
	[tilespmem:$0x1A400] =	vst v63  }
0x1c9: {  	_ = 	snop  }
0x1ca: {  	[tilespmem:s11], [sflag:$0x3] =	stream.indirect_vreg.gather [hbm4b:s2+s3], $0x80, v12, vm0, $0xb8;
	[tilespmem:$0x1A400] =	vst v63  }
0x1cb: {  	_ = 	snop  }
0x1cc: {  	[tilespmem:s6], [sflag:$0x3] =	stream.indirect_vreg.gather [hbm4b:s8+s3], $0x80, v12, vm0, $0xb8;
	[tilespmem:$0x1A400] =	vst v63  }
.Ltmp11:
0x1cd: {  	_ = 	snop;
	(pc) =	sbr.rel .LBB2_13-.Ltmp11, $4  }
0x1ce: {  	_ = 	snop  }
0x1cf: {  	[tilespmem:s4], [sflag:$0x3] =	stream.indirect_vreg.gather [hbm4b:s9+s3], $0x80, v12, vm0, $0xb8;
	[tilespmem:$0x1A400] =	vst v63  }
0x1d0: {  	_ = 	snop  }
0x1d1: {  	[tilespmem:s16], [sflag:$0x3] =	stream.indirect_vreg.gather [hbm4b:s10+s3], $0x80, v12, vm0, $0xb8;
	[tilespmem:$0x1A400] =	vst v63  }
.LBB2_15:
0x1d2: {  	_ =	sfence.sel $0x180000  }
0x1d3: {  	[bflag:$0x0] =	sbarrier.arrive $0xFFFF  }
0x1d4: {  	_ =	strace $0x90000047  }
0x1d5: {  	s0 =	stileid.u32;
	[bflag:$0x2] =	sbarrier.arrive $0xFFFF  }
0x1d6: {  	p0 =	sne.s32 s0, $0x0;
	s0 =	rddreg [dreg:$0x3]  }
0x1d7: {  	s0 =	sadd.s32 @!p0 $0x100000, s0  }
0x1d8: {  	[sflag:s0] =	ssyncadd.tile.s32 @!p0 $0x1;
	_ =	shalt  }
.Lfunc_end2:
_tile_overlayer_lowered:
.L_overlay_start_2:
0x1d9: {  	(tag) =	ssettag $0x2  }
0x1da: {  	s0 =	rddreg [dreg:$0x0];
	s2 =	stileid.u32  }
0x1db: {  	s1 =	rddreg [dreg:$0x1];
	p0 =	sne.s32 s2, $0x0  }
0x1dc: {  	s3 =	rddreg [dreg:$0x2];
	[bflag:$0x3] =	sbarrier.arrive $0xFFFF;
	s2 =	simm.s32 @!p0 $0x1C07  }
0x1dd: {  	[timem:s3], [sflag:s2] =	dma.local @!p0 [hbm:s0], s1  }
0x1de: {  	s0 =	simm.s32 @!p0 $0x7  }
0x1df: {  	_ =	swait.ge @!p0 [sflag:s0], s1  }
0x1e0: {  	s1 =	ssub.s32 @!p0 $0x0, s1;
	[sflag:s0] =	ssyncset.done @!p0 $0x0  }
0x1e1: {  	[sflag:s0] =	ssyncadd.s32 @!p0 s1  }
0x1e2: {  	[bflag:$0x3] =	sbarrier.arrive $0xFFFF  }
0x1e3: {  	_ =	shalt  }

</sc_bundles>
